<compile_context>
chip_gen: v7x
topology: tpu7x:2x2x1
jax: 0.10.2.dev20260603
libtpu: 0.0.44.dev20260713+nightly
codegen_flags: <defaults>
</compile_context>

<pallas_src>
import functools

import jax
import jax.numpy as jnp
from jax import lax
from jax.experimental import pallas as pl
from jax.experimental.pallas import tpu as pltpu
from jax.experimental.pallas import tpu_sc as plsc


@functools.cache
def _make(V, D, B):
    info = plsc.get_sparse_core_info()
    NC, NS = info.num_cores, info.num_subcores
    NW = NC * NS
    assert B % NW == 0
    b_per_w = B // NW
    CH = 800
    NBUF = 4
    K = 2
    assert b_per_w % CH == 0
    n_chunks = b_per_w // CH
    assert n_chunks % NBUF == 0
    G = n_chunks // NBUF
    mesh = plsc.VectorSubcoreMesh(core_axis_name="c", subcore_axis_name="s")

    @functools.partial(
        pl.kernel,
        mesh=mesh,
        compiler_params=pltpu.CompilerParams(use_tc_tiling_on_sc=False),
        out_type=jax.ShapeDtypeStruct((B, D), jnp.float32),
        scratch_types=[
            pltpu.VMEM((NBUF, CH), jnp.int32),
            pltpu.VMEM((NBUF, CH, D), jnp.float32),
            pltpu.SemaphoreType.DMA((NBUF,)),
            pltpu.SemaphoreType.DMA((NBUF,)),
            pltpu.SemaphoreType.DMA((NBUF,)),
        ],
    )
    def k(idx_hbm, table_hbm, out_hbm, idx_v, rows_v, sem_i, sem_g, sem_o):
        wid = lax.axis_index("s") * NC + lax.axis_index("c")
        base = wid * b_per_w

        def idx_slice(c):
            return idx_hbm.at[pl.ds(base + lax.rem(c, n_chunks) * CH, CH)]

        def out_slice(c):
            return out_hbm.at[pl.ds(base + c * CH, CH)]

        def start_idx(c, b):
            pltpu.async_copy(idx_slice(c), idx_v.at[b], sem_i.at[b])

        def wait_idx(c, b):
            pltpu.make_async_copy(idx_slice(c), idx_v.at[b], sem_i.at[b]).wait()

        def start_gather(b):
            pltpu.async_copy(table_hbm.at[idx_v.at[b]], rows_v.at[b], sem_g.at[b])

        def wait_gather(b):
            pltpu.make_async_copy(
                table_hbm.at[idx_v.at[b]], rows_v.at[b], sem_g.at[b]
            ).wait()

        def start_store(c, b):
            pltpu.async_copy(rows_v.at[b], out_slice(c), sem_o.at[b])

        def wait_store(c, b):
            pltpu.make_async_copy(rows_v.at[b], out_slice(c), sem_o.at[b]).wait()

        for b in range(NBUF):
            start_idx(b, b)
        for b in range(NBUF):
            wait_idx(b, b)
            start_gather(b)
        for j in range(K):
            wait_gather(j)
            start_store(j, j)
            start_idx(NBUF + j, j)

        def body(g, carry):
            for b in range(NBUF):
                i = g * NBUF + b
                s = (b - K) % NBUF
                wait_store(i - NBUF, b)
                wait_idx(i, b)
                start_gather(b)
                wait_gather(s)
                start_store(i - K, s)
                start_idx(i - K + NBUF, s)
            return carry

        lax.fori_loop(1, G, body, 0)

        for c in range(n_chunks - K, n_chunks):
            s = c % NBUF
            wait_gather(s)
            start_store(c, s)
        for c in range(n_chunks - NBUF, n_chunks):
            wait_store(c, c % NBUF)
        for b in range(NBUF - K):
            wait_idx(b, b)

    return k


def kernel(input, vocab):
    B_, L_ = input.shape
    V, D = vocab.shape
    flat = input.reshape(-1)
    k = _make(V, D, B_ * L_)
    out = k(flat, vocab)
    return out.reshape(B_, L_, D)

# --- scband reference (transcript-rebuilt; emitter-appended) ---
"""Pipeline reference for scband-embedding-layer-11012296147225 (READ-ONLY COPY).

The authoritative reference and input builder live on the scoring server;
editing this copy changes nothing except your own understanding.
"""

import jax, jax.numpy as jnp
import numpy as np

VOCAB = 1000000
DIM = 32
B = 4096
L = 200

def setup_inputs(seed: int = 0) -> dict:
    key = jax.random.key(seed)
    k1, k2 = jax.random.split(key)
    inp = jax.random.randint(k1, (B, L), 0, VOCAB, dtype=jnp.int64) if jax.config.jax_enable_x64 else jax.random.randint(k1, (B, L), 0, VOCAB, dtype=jnp.int32)
    vocab = jax.random.normal(k2, (VOCAB, DIM), dtype=jnp.float32)
    return {"input": inp, "vocab": vocab}

def reference(input, vocab):
    # EmbeddingLayer.forward with batch_first=True, mask=None, training=False
    n_dim = DIM
    result = jnp.take(vocab, input.reshape(-1), axis=0)
    n_samples = input.shape[0]
    n_steps = input.shape[1]
    result = result.reshape((n_samples, n_steps, n_dim))
    return result

if __name__ == "__main__":
    import jax
    _d = setup_inputs()
    print(jax.jit(kernel)(*tuple(_d.values())))

</pallas_src>

<mosaic_0001>
#map = affine_map<(d0, d1) -> (0)>
#map1 = affine_map<(d0, d1) -> (0, 0)>
module attributes {stable_mosaic.version = 14 : i64} {
  func.func @k(%arg0: i32, %arg1: i32, %arg2: memref<819200xi32, #tpu.memory_space<hbm>>, %arg3: memref<1000000x32xf32, #tpu.memory_space<hbm>>, %arg4: memref<819200x32xf32, #tpu.memory_space<hbm>>, %arg5: memref<4x800xi32, #tpu.memory_space<vmem>>, %arg6: memref<4x800x32xf32, #tpu.memory_space<vmem>>, %arg7: memref<4x!tpu.dma_semaphore, #tpu.memory_space<semaphore_mem>>, %arg8: memref<4x!tpu.dma_semaphore, #tpu.memory_space<semaphore_mem>>, %arg9: memref<4x!tpu.dma_semaphore, #tpu.memory_space<semaphore_mem>>) attributes {dimension_semantics = [#tpu.dimension_semantics<core_parallel>, #tpu.dimension_semantics<subcore_parallel>], iteration_bounds = array<i64: 2, 16>, scalar_prefetch = 0 : i64, scratch_operands = 5 : i64, tpu.core_type = #tpu.core_type<sc_vector_subcore>, window_params = [{transform_indices = #map}, {transform_indices = #map1}, {transform_indices = #map1}]} {
    %mul3A = arith.constant 2 : i32
    %mul3A_0 = arith.muli %arg1, %mul3A : i32
    %add3A = arith.addi %mul3A_0, %arg0 : i32
    %mul3A_1 = arith.constant 25600 : i32
    %mul3A_2 = arith.muli %add3A, %mul3A_1 : i32
    %rem3A = arith.constant 0 : i32
    %rem3A_3 = arith.constant 32 : i32
    %rem3A_4 = arith.remsi %rem3A, %rem3A_3 : i32
    %mul3A_5 = arith.constant 800 : i32
    %mul3A_6 = arith.muli %rem3A_4, %mul3A_5 : i32
    %add3A_7 = arith.addi %mul3A_2, %mul3A_6 : i32
    %dma_start3A = arith.constant 0 : i32
    %dma_start3A_8 = arith.constant 0 : i32
    %dma_start3A_9 = arith.constant 0 : i32
    %dma_start3A_10 = tpu.memref_slice %arg5[%dma_start3A, %dma_start3A_9] : memref<4x800xi32, #tpu.memory_space<vmem>> -> memref<1x800xi32, #tpu.memory_space<vmem>>
    %dma_start3A_11 = tpu.memref_squeeze %dma_start3A_10 : memref<1x800xi32, #tpu.memory_space<vmem>> -> memref<800xi32, #tpu.memory_space<vmem>>
    %dma_start3A_12 = tpu.memref_slice %arg2[%add3A_7] : memref<819200xi32, #tpu.memory_space<hbm>> -> memref<800xi32, #tpu.memory_space<hbm>>
    %dma_start3A_13 = tpu.memref_slice %arg7[%dma_start3A_8] : memref<4x!tpu.dma_semaphore, #tpu.memory_space<semaphore_mem>> -> memref<1x!tpu.dma_semaphore, #tpu.memory_space<semaphore_mem>>
    %dma_start3A_14 = tpu.memref_squeeze %dma_start3A_13 : memref<1x!tpu.dma_semaphore, #tpu.memory_space<semaphore_mem>> -> memref<!tpu.dma_semaphore, #tpu.memory_space<semaphore_mem>>
    %dma_start3A_15 = arith.constant 0 : i32
    %dma_start3A_16 = tpu.memref_slice %arg5[%dma_start3A, %dma_start3A_15] : memref<4x800xi32, #tpu.memory_space<vmem>> -> memref<1x800xi32, #tpu.memory_space<vmem>>
    %dma_start3A_17 = tpu.memref_squeeze %dma_start3A_16 : memref<1x800xi32, #tpu.memory_space<vmem>> -> memref<800xi32, #tpu.memory_space<vmem>>
    %dma_start3A_18 = tpu.memref_slice %arg2[%add3A_7] : memref<819200xi32, #tpu.memory_space<hbm>> -> memref<800xi32, #tpu.memory_space<hbm>>
    tpu.enqueue_dma source(%dma_start3A_18 : memref<800xi32, #tpu.memory_space<hbm>>) target(%dma_start3A_17 : memref<800xi32, #tpu.memory_space<vmem>>) target_semaphore(%dma_start3A_14 : memref<!tpu.dma_semaphore, #tpu.memory_space<semaphore_mem>>)
    %rem3A_19 = arith.constant 1 : i32
    %rem3A_20 = arith.constant 32 : i32
    %rem3A_21 = arith.remsi %rem3A_19, %rem3A_20 : i32
    %mul3A_22 = arith.constant 800 : i32
    %mul3A_23 = arith.muli %rem3A_21, %mul3A_22 : i32
    %add3A_24 = arith.addi %mul3A_2, %mul3A_23 : i32
    %dma_start3A_25 = arith.constant 1 : i32
    %dma_start3A_26 = arith.constant 1 : i32
    %dma_start3A_27 = arith.constant 0 : i32
    %dma_start3A_28 = tpu.memref_slice %arg5[%dma_start3A_25, %dma_start3A_27] : memref<4x800xi32, #tpu.memory_space<vmem>> -> memref<1x800xi32, #tpu.memory_space<vmem>>
    %dma_start3A_29 = tpu.memref_squeeze %dma_start3A_28 : memref<1x800xi32, #tpu.memory_space<vmem>> -> memref<800xi32, #tpu.memory_space<vmem>>
    %dma_start3A_30 = tpu.memref_slice %arg2[%add3A_24] : memref<819200xi32, #tpu.memory_space<hbm>> -> memref<800xi32, #tpu.memory_space<hbm>>
    %dma_start3A_31 = tpu.memref_slice %arg7[%dma_start3A_26] : memref<4x!tpu.dma_semaphore, #tpu.memory_space<semaphore_mem>> -> memref<1x!tpu.dma_semaphore, #tpu.memory_space<semaphore_mem>>
    %dma_start3A_32 = tpu.memref_squeeze %dma_start3A_31 : memref<1x!tpu.dma_semaphore, #tpu.memory_space<semaphore_mem>> -> memref<!tpu.dma_semaphore, #tpu.memory_space<semaphore_mem>>
    %dma_start3A_33 = arith.constant 0 : i32
    %dma_start3A_34 = tpu.memref_slice %arg5[%dma_start3A_25, %dma_start3A_33] : memref<4x800xi32, #tpu.memory_space<vmem>> -> memref<1x800xi32, #tpu.memory_space<vmem>>
    %dma_start3A_35 = tpu.memref_squeeze %dma_start3A_34 : memref<1x800xi32, #tpu.memory_space<vmem>> -> memref<800xi32, #tpu.memory_space<vmem>>
    %dma_start3A_36 = tpu.memref_slice %arg2[%add3A_24] : memref<819200xi32, #tpu.memory_space<hbm>> -> memref<800xi32, #tpu.memory_space<hbm>>
    tpu.enqueue_dma source(%dma_start3A_36 : memref<800xi32, #tpu.memory_space<hbm>>) target(%dma_start3A_35 : memref<800xi32, #tpu.memory_space<vmem>>) target_semaphore(%dma_start3A_32 : memref<!tpu.dma_semaphore, #tpu.memory_space<semaphore_mem>>)
    %rem3A_37 = arith.constant 2 : i32
    %rem3A_38 = arith.constant 32 : i32
    %rem3A_39 = arith.remsi %rem3A_37, %rem3A_38 : i32
    %mul3A_40 = arith.constant 800 : i32
    %mul3A_41 = arith.muli %rem3A_39, %mul3A_40 : i32
    %add3A_42 = arith.addi %mul3A_2, %mul3A_41 : i32
    %dma_start3A_43 = arith.constant 2 : i32
    %dma_start3A_44 = arith.constant 2 : i32
    %dma_start3A_45 = arith.constant 0 : i32
    %dma_start3A_46 = tpu.memref_slice %arg5[%dma_start3A_43, %dma_start3A_45] : memref<4x800xi32, #tpu.memory_space<vmem>> -> memref<1x800xi32, #tpu.memory_space<vmem>>
    %dma_start3A_47 = tpu.memref_squeeze %dma_start3A_46 : memref<1x800xi32, #tpu.memory_space<vmem>> -> memref<800xi32, #tpu.memory_space<vmem>>
    %dma_start3A_48 = tpu.memref_slice %arg2[%add3A_42] : memref<819200xi32, #tpu.memory_space<hbm>> -> memref<800xi32, #tpu.memory_space<hbm>>
    %dma_start3A_49 = tpu.memref_slice %arg7[%dma_start3A_44] : memref<4x!tpu.dma_semaphore, #tpu.memory_space<semaphore_mem>> -> memref<1x!tpu.dma_semaphore, #tpu.memory_space<semaphore_mem>>
    %dma_start3A_50 = tpu.memref_squeeze %dma_start3A_49 : memref<1x!tpu.dma_semaphore, #tpu.memory_space<semaphore_mem>> -> memref<!tpu.dma_semaphore, #tpu.memory_space<semaphore_mem>>
    %dma_start3A_51 = arith.constant 0 : i32
    %dma_start3A_52 = tpu.memref_slice %arg5[%dma_start3A_43, %dma_start3A_51] : memref<4x800xi32, #tpu.memory_space<vmem>> -> memref<1x800xi32, #tpu.memory_space<vmem>>
    %dma_start3A_53 = tpu.memref_squeeze %dma_start3A_52 : memref<1x800xi32, #tpu.memory_space<vmem>> -> memref<800xi32, #tpu.memory_space<vmem>>
    %dma_start3A_54 = tpu.memref_slice %arg2[%add3A_42] : memref<819200xi32, #tpu.memory_space<hbm>> -> memref<800xi32, #tpu.memory_space<hbm>>
    tpu.enqueue_dma source(%dma_start3A_54 : memref<800xi32, #tpu.memory_space<hbm>>) target(%dma_start3A_53 : memref<800xi32, #tpu.memory_space<vmem>>) target_semaphore(%dma_start3A_50 : memref<!tpu.dma_semaphore, #tpu.memory_space<semaphore_mem>>)
    %rem3A_55 = arith.constant 3 : i32
    %rem3A_56 = arith.constant 32 : i32
    %rem3A_57 = arith.remsi %rem3A_55, %rem3A_56 : i32
    %mul3A_58 = arith.constant 800 : i32
    %mul3A_59 = arith.muli %rem3A_57, %mul3A_58 : i32
    %add3A_60 = arith.addi %mul3A_2, %mul3A_59 : i32
    %dma_start3A_61 = arith.constant 3 : i32
    %dma_start3A_62 = arith.constant 3 : i32
    %dma_start3A_63 = arith.constant 0 : i32
    %dma_start3A_64 = tpu.memref_slice %arg5[%dma_start3A_61, %dma_start3A_63] : memref<4x800xi32, #tpu.memory_space<vmem>> -> memref<1x800xi32, #tpu.memory_space<vmem>>
    %dma_start3A_65 = tpu.memref_squeeze %dma_start3A_64 : memref<1x800xi32, #tpu.memory_space<vmem>> -> memref<800xi32, #tpu.memory_space<vmem>>
    %dma_start3A_66 = tpu.memref_slice %arg2[%add3A_60] : memref<819200xi32, #tpu.memory_space<hbm>> -> memref<800xi32, #tpu.memory_space<hbm>>
    %dma_start3A_67 = tpu.memref_slice %arg7[%dma_start3A_62] : memref<4x!tpu.dma_semaphore, #tpu.memory_space<semaphore_mem>> -> memref<1x!tpu.dma_semaphore, #tpu.memory_space<semaphore_mem>>
    %dma_start3A_68 = tpu.memref_squeeze %dma_start3A_67 : memref<1x!tpu.dma_semaphore, #tpu.memory_space<semaphore_mem>> -> memref<!tpu.dma_semaphore, #tpu.memory_space<semaphore_mem>>
    %dma_start3A_69 = arith.constant 0 : i32
    %dma_start3A_70 = tpu.memref_slice %arg5[%dma_start3A_61, %dma_start3A_69] : memref<4x800xi32, #tpu.memory_space<vmem>> -> memref<1x800xi32, #tpu.memory_space<vmem>>
    %dma_start3A_71 = tpu.memref_squeeze %dma_start3A_70 : memref<1x800xi32, #tpu.memory_space<vmem>> -> memref<800xi32, #tpu.memory_space<vmem>>
    %dma_start3A_72 = tpu.memref_slice %arg2[%add3A_60] : memref<819200xi32, #tpu.memory_space<hbm>> -> memref<800xi32, #tpu.memory_space<hbm>>
    tpu.enqueue_dma source(%dma_start3A_72 : memref<800xi32, #tpu.memory_space<hbm>>) target(%dma_start3A_71 : memref<800xi32, #tpu.memory_space<vmem>>) target_semaphore(%dma_start3A_68 : memref<!tpu.dma_semaphore, #tpu.memory_space<semaphore_mem>>)
    %rem3A_73 = arith.constant 0 : i32
    %rem3A_74 = arith.constant 32 : i32
    %rem3A_75 = arith.remsi %rem3A_73, %rem3A_74 : i32
    %mul3A_76 = arith.constant 800 : i32
    %mul3A_77 = arith.muli %rem3A_75, %mul3A_76 : i32
    %add3A_78 = arith.addi %mul3A_2, %mul3A_77 : i32
    %dma_wait3A = arith.constant 0 : i32
    %dma_wait3A_79 = arith.constant 0 : i32
    %dma_wait3A_80 = arith.constant 0 : i32
    %dma_wait3A_81 = tpu.memref_slice %arg5[%dma_wait3A, %dma_wait3A_80] : memref<4x800xi32, #tpu.memory_space<vmem>> -> memref<1x800xi32, #tpu.memory_space<vmem>>
    %dma_wait3A_82 = tpu.memref_squeeze %dma_wait3A_81 : memref<1x800xi32, #tpu.memory_space<vmem>> -> memref<800xi32, #tpu.memory_space<vmem>>
    %dma_wait3A_83 = tpu.memref_slice %arg2[%add3A_78] : memref<819200xi32, #tpu.memory_space<hbm>> -> memref<800xi32, #tpu.memory_space<hbm>>
    %dma_wait3A_84 = tpu.memref_slice %arg7[%dma_wait3A_79] : memref<4x!tpu.dma_semaphore, #tpu.memory_space<semaphore_mem>> -> memref<1x!tpu.dma_semaphore, #tpu.memory_space<semaphore_mem>>
    %dma_wait3A_85 = tpu.memref_squeeze %dma_wait3A_84 : memref<1x!tpu.dma_semaphore, #tpu.memory_space<semaphore_mem>> -> memref<!tpu.dma_semaphore, #tpu.memory_space<semaphore_mem>>
    %dma_wait3A_86 = arith.constant 0 : i32
    %dma_wait3A_87 = tpu.memref_slice %arg5[%dma_wait3A, %dma_wait3A_86] : memref<4x800xi32, #tpu.memory_space<vmem>> -> memref<1x800xi32, #tpu.memory_space<vmem>>
    %dma_wait3A_88 = tpu.memref_squeeze %dma_wait3A_87 : memref<1x800xi32, #tpu.memory_space<vmem>> -> memref<800xi32, #tpu.memory_space<vmem>>
    %dma_wait3A_89 = tpu.memref_slice %arg2[%add3A_78] : memref<819200xi32, #tpu.memory_space<hbm>> -> memref<800xi32, #tpu.memory_space<hbm>>
    tpu.wait_dma2 semaphore(%dma_wait3A_85 : memref<!tpu.dma_semaphore, #tpu.memory_space<semaphore_mem>>) src(%dma_wait3A_89 : memref<800xi32, #tpu.memory_space<hbm>>) dst(%dma_wait3A_88 : memref<800xi32, #tpu.memory_space<vmem>>)
    %dma_start3A_90 = arith.constant 0 : i32
    %dma_start3A_91 = arith.constant 0 : i32
    %dma_start3A_92 = arith.constant 0 : i32
    %dma_start3A_93 = arith.constant 0 : i32
    %dma_start3A_94 = arith.constant 0 : i32
    %dma_start3A_95 = tpu.memref_slice %arg6[%dma_start3A_91, %dma_start3A_93, %dma_start3A_94] : memref<4x800x32xf32, #tpu.memory_space<vmem>> -> memref<1x800x32xf32, #tpu.memory_space<vmem>>
    %dma_start3A_96 = tpu.memref_squeeze %dma_start3A_95 : memref<1x800x32xf32, #tpu.memory_space<vmem>> -> memref<800x32xf32, #tpu.memory_space<vmem>>
    %dma_start3A_97 = arith.constant 0 : i32
    %dma_start3A_98 = tpu.memref_slice %arg5[%dma_start3A_90, %dma_start3A_97] : memref<4x800xi32, #tpu.memory_space<vmem>> -> memref<1x800xi32, #tpu.memory_space<vmem>>
    %dma_start3A_99 = tpu.memref_squeeze %dma_start3A_98 : memref<1x800xi32, #tpu.memory_space<vmem>> -> memref<800xi32, #tpu.memory_space<vmem>>
    %dma_start3A_100 = arith.constant 0 : i32
    %dma_start3A_101 = arith.constant 0 : i32
    %dma_start3A_102 = tpu.memref_slice %arg3[%dma_start3A_100, %dma_start3A_101] : memref<1000000x32xf32, #tpu.memory_space<hbm>> -> memref<1000000x32xf32, #tpu.memory_space<hbm>>
    %dma_start3A_103 = tpu.memref_slice %arg8[%dma_start3A_92] : memref<4x!tpu.dma_semaphore, #tpu.memory_space<semaphore_mem>> -> memref<1x!tpu.dma_semaphore, #tpu.memory_space<semaphore_mem>>
    %dma_start3A_104 = tpu.memref_squeeze %dma_start3A_103 : memref<1x!tpu.dma_semaphore, #tpu.memory_space<semaphore_mem>> -> memref<!tpu.dma_semaphore, #tpu.memory_space<semaphore_mem>>
    tpu.enqueue_indirect_dma source(%dma_start3A_102 : memref<1000000x32xf32, #tpu.memory_space<hbm>>) target(%dma_start3A_96 : memref<800x32xf32, #tpu.memory_space<vmem>>) offsets(%dma_start3A_99 : memref<800xi32, #tpu.memory_space<vmem>>) semaphore(%dma_start3A_104 : memref<!tpu.dma_semaphore, #tpu.memory_space<semaphore_mem>>)
    %rem3A_105 = arith.constant 1 : i32
    %rem3A_106 = arith.constant 32 : i32
    %rem3A_107 = arith.remsi %rem3A_105, %rem3A_106 : i32
    %mul3A_108 = arith.constant 800 : i32
    %mul3A_109 = arith.muli %rem3A_107, %mul3A_108 : i32
    %add3A_110 = arith.addi %mul3A_2, %mul3A_109 : i32
    %dma_wait3A_111 = arith.constant 1 : i32
    %dma_wait3A_112 = arith.constant 1 : i32
    %dma_wait3A_113 = arith.constant 0 : i32
    %dma_wait3A_114 = tpu.memref_slice %arg5[%dma_wait3A_111, %dma_wait3A_113] : memref<4x800xi32, #tpu.memory_space<vmem>> -> memref<1x800xi32, #tpu.memory_space<vmem>>
    %dma_wait3A_115 = tpu.memref_squeeze %dma_wait3A_114 : memref<1x800xi32, #tpu.memory_space<vmem>> -> memref<800xi32, #tpu.memory_space<vmem>>
    %dma_wait3A_116 = tpu.memref_slice %arg2[%add3A_110] : memref<819200xi32, #tpu.memory_space<hbm>> -> memref<800xi32, #tpu.memory_space<hbm>>
    %dma_wait3A_117 = tpu.memref_slice %arg7[%dma_wait3A_112] : memref<4x!tpu.dma_semaphore, #tpu.memory_space<semaphore_mem>> -> memref<1x!tpu.dma_semaphore, #tpu.memory_space<semaphore_mem>>
    %dma_wait3A_118 = tpu.memref_squeeze %dma_wait3A_117 : memref<1x!tpu.dma_semaphore, #tpu.memory_space<semaphore_mem>> -> memref<!tpu.dma_semaphore, #tpu.memory_space<semaphore_mem>>
    %dma_wait3A_119 = arith.constant 0 : i32
    %dma_wait3A_120 = tpu.memref_slice %arg5[%dma_wait3A_111, %dma_wait3A_119] : memref<4x800xi32, #tpu.memory_space<vmem>> -> memref<1x800xi32, #tpu.memory_space<vmem>>
    %dma_wait3A_121 = tpu.memref_squeeze %dma_wait3A_120 : memref<1x800xi32, #tpu.memory_space<vmem>> -> memref<800xi32, #tpu.memory_space<vmem>>
    %dma_wait3A_122 = tpu.memref_slice %arg2[%add3A_110] : memref<819200xi32, #tpu.memory_space<hbm>> -> memref<800xi32, #tpu.memory_space<hbm>>
    tpu.wait_dma2 semaphore(%dma_wait3A_118 : memref<!tpu.dma_semaphore, #tpu.memory_space<semaphore_mem>>) src(%dma_wait3A_122 : memref<800xi32, #tpu.memory_space<hbm>>) dst(%dma_wait3A_121 : memref<800xi32, #tpu.memory_space<vmem>>)
    %dma_start3A_123 = arith.constant 1 : i32
    %dma_start3A_124 = arith.constant 1 : i32
    %dma_start3A_125 = arith.constant 1 : i32
    %dma_start3A_126 = arith.constant 0 : i32
    %dma_start3A_127 = arith.constant 0 : i32
    %dma_start3A_128 = tpu.memref_slice %arg6[%dma_start3A_124, %dma_start3A_126, %dma_start3A_127] : memref<4x800x32xf32, #tpu.memory_space<vmem>> -> memref<1x800x32xf32, #tpu.memory_space<vmem>>
    %dma_start3A_129 = tpu.memref_squeeze %dma_start3A_128 : memref<1x800x32xf32, #tpu.memory_space<vmem>> -> memref<800x32xf32, #tpu.memory_space<vmem>>
    %dma_start3A_130 = arith.constant 0 : i32
    %dma_start3A_131 = tpu.memref_slice %arg5[%dma_start3A_123, %dma_start3A_130] : memref<4x800xi32, #tpu.memory_space<vmem>> -> memref<1x800xi32, #tpu.memory_space<vmem>>
    %dma_start3A_132 = tpu.memref_squeeze %dma_start3A_131 : memref<1x800xi32, #tpu.memory_space<vmem>> -> memref<800xi32, #tpu.memory_space<vmem>>
    %dma_start3A_133 = arith.constant 0 : i32
    %dma_start3A_134 = arith.constant 0 : i32
    %dma_start3A_135 = tpu.memref_slice %arg3[%dma_start3A_133, %dma_start3A_134] : memref<1000000x32xf32, #tpu.memory_space<hbm>> -> memref<1000000x32xf32, #tpu.memory_space<hbm>>
    %dma_start3A_136 = tpu.memref_slice %arg8[%dma_start3A_125] : memref<4x!tpu.dma_semaphore, #tpu.memory_space<semaphore_mem>> -> memref<1x!tpu.dma_semaphore, #tpu.memory_space<semaphore_mem>>
    %dma_start3A_137 = tpu.memref_squeeze %dma_start3A_136 : memref<1x!tpu.dma_semaphore, #tpu.memory_space<semaphore_mem>> -> memref<!tpu.dma_semaphore, #tpu.memory_space<semaphore_mem>>
    tpu.enqueue_indirect_dma source(%dma_start3A_135 : memref<1000000x32xf32, #tpu.memory_space<hbm>>) target(%dma_start3A_129 : memref<800x32xf32, #tpu.memory_space<vmem>>) offsets(%dma_start3A_132 : memref<800xi32, #tpu.memory_space<vmem>>) semaphore(%dma_start3A_137 : memref<!tpu.dma_semaphore, #tpu.memory_space<semaphore_mem>>)
    %rem3A_138 = arith.constant 2 : i32
    %rem3A_139 = arith.constant 32 : i32
    %rem3A_140 = arith.remsi %rem3A_138, %rem3A_139 : i32
    %mul3A_141 = arith.constant 800 : i32
    %mul3A_142 = arith.muli %rem3A_140, %mul3A_141 : i32
    %add3A_143 = arith.addi %mul3A_2, %mul3A_142 : i32
    %dma_wait3A_144 = arith.constant 2 : i32
    %dma_wait3A_145 = arith.constant 2 : i32
    %dma_wait3A_146 = arith.constant 0 : i32
    %dma_wait3A_147 = tpu.memref_slice %arg5[%dma_wait3A_144, %dma_wait3A_146] : memref<4x800xi32, #tpu.memory_space<vmem>> -> memref<1x800xi32, #tpu.memory_space<vmem>>
    %dma_wait3A_148 = tpu.memref_squeeze %dma_wait3A_147 : memref<1x800xi32, #tpu.memory_space<vmem>> -> memref<800xi32, #tpu.memory_space<vmem>>
    %dma_wait3A_149 = tpu.memref_slice %arg2[%add3A_143] : memref<819200xi32, #tpu.memory_space<hbm>> -> memref<800xi32, #tpu.memory_space<hbm>>
    %dma_wait3A_150 = tpu.memref_slice %arg7[%dma_wait3A_145] : memref<4x!tpu.dma_semaphore, #tpu.memory_space<semaphore_mem>> -> memref<1x!tpu.dma_semaphore, #tpu.memory_space<semaphore_mem>>
    %dma_wait3A_151 = tpu.memref_squeeze %dma_wait3A_150 : memref<1x!tpu.dma_semaphore, #tpu.memory_space<semaphore_mem>> -> memref<!tpu.dma_semaphore, #tpu.memory_space<semaphore_mem>>
    %dma_wait3A_152 = arith.constant 0 : i32
    %dma_wait3A_153 = tpu.memref_slice %arg5[%dma_wait3A_144, %dma_wait3A_152] : memref<4x800xi32, #tpu.memory_space<vmem>> -> memref<1x800xi32, #tpu.memory_space<vmem>>
    %dma_wait3A_154 = tpu.memref_squeeze %dma_wait3A_153 : memref<1x800xi32, #tpu.memory_space<vmem>> -> memref<800xi32, #tpu.memory_space<vmem>>
    %dma_wait3A_155 = tpu.memref_slice %arg2[%add3A_143] : memref<819200xi32, #tpu.memory_space<hbm>> -> memref<800xi32, #tpu.memory_space<hbm>>
    tpu.wait_dma2 semaphore(%dma_wait3A_151 : memref<!tpu.dma_semaphore, #tpu.memory_space<semaphore_mem>>) src(%dma_wait3A_155 : memref<800xi32, #tpu.memory_space<hbm>>) dst(%dma_wait3A_154 : memref<800xi32, #tpu.memory_space<vmem>>)
    %dma_start3A_156 = arith.constant 2 : i32
    %dma_start3A_157 = arith.constant 2 : i32
    %dma_start3A_158 = arith.constant 2 : i32
    %dma_start3A_159 = arith.constant 0 : i32
    %dma_start3A_160 = arith.constant 0 : i32
    %dma_start3A_161 = tpu.memref_slice %arg6[%dma_start3A_157, %dma_start3A_159, %dma_start3A_160] : memref<4x800x32xf32, #tpu.memory_space<vmem>> -> memref<1x800x32xf32, #tpu.memory_space<vmem>>
    %dma_start3A_162 = tpu.memref_squeeze %dma_start3A_161 : memref<1x800x32xf32, #tpu.memory_space<vmem>> -> memref<800x32xf32, #tpu.memory_space<vmem>>
    %dma_start3A_163 = arith.constant 0 : i32
    %dma_start3A_164 = tpu.memref_slice %arg5[%dma_start3A_156, %dma_start3A_163] : memref<4x800xi32, #tpu.memory_space<vmem>> -> memref<1x800xi32, #tpu.memory_space<vmem>>
    %dma_start3A_165 = tpu.memref_squeeze %dma_start3A_164 : memref<1x800xi32, #tpu.memory_space<vmem>> -> memref<800xi32, #tpu.memory_space<vmem>>
    %dma_start3A_166 = arith.constant 0 : i32
    %dma_start3A_167 = arith.constant 0 : i32
    %dma_start3A_168 = tpu.memref_slice %arg3[%dma_start3A_166, %dma_start3A_167] : memref<1000000x32xf32, #tpu.memory_space<hbm>> -> memref<1000000x32xf32, #tpu.memory_space<hbm>>
    %dma_start3A_169 = tpu.memref_slice %arg8[%dma_start3A_158] : memref<4x!tpu.dma_semaphore, #tpu.memory_space<semaphore_mem>> -> memref<1x!tpu.dma_semaphore, #tpu.memory_space<semaphore_mem>>
    %dma_start3A_170 = tpu.memref_squeeze %dma_start3A_169 : memref<1x!tpu.dma_semaphore, #tpu.memory_space<semaphore_mem>> -> memref<!tpu.dma_semaphore, #tpu.memory_space<semaphore_mem>>
    tpu.enqueue_indirect_dma source(%dma_start3A_168 : memref<1000000x32xf32, #tpu.memory_space<hbm>>) target(%dma_start3A_162 : memref<800x32xf32, #tpu.memory_space<vmem>>) offsets(%dma_start3A_165 : memref<800xi32, #tpu.memory_space<vmem>>) semaphore(%dma_start3A_170 : memref<!tpu.dma_semaphore, #tpu.memory_space<semaphore_mem>>)
    %rem3A_171 = arith.constant 3 : i32
    %rem3A_172 = arith.constant 32 : i32
    %rem3A_173 = arith.remsi %rem3A_171, %rem3A_172 : i32
    %mul3A_174 = arith.constant 800 : i32
    %mul3A_175 = arith.muli %rem3A_173, %mul3A_174 : i32
    %add3A_176 = arith.addi %mul3A_2, %mul3A_175 : i32
    %dma_wait3A_177 = arith.constant 3 : i32
    %dma_wait3A_178 = arith.constant 3 : i32
    %dma_wait3A_179 = arith.constant 0 : i32
    %dma_wait3A_180 = tpu.memref_slice %arg5[%dma_wait3A_177, %dma_wait3A_179] : memref<4x800xi32, #tpu.memory_space<vmem>> -> memref<1x800xi32, #tpu.memory_space<vmem>>
    %dma_wait3A_181 = tpu.memref_squeeze %dma_wait3A_180 : memref<1x800xi32, #tpu.memory_space<vmem>> -> memref<800xi32, #tpu.memory_space<vmem>>
    %dma_wait3A_182 = tpu.memref_slice %arg2[%add3A_176] : memref<819200xi32, #tpu.memory_space<hbm>> -> memref<800xi32, #tpu.memory_space<hbm>>
    %dma_wait3A_183 = tpu.memref_slice %arg7[%dma_wait3A_178] : memref<4x!tpu.dma_semaphore, #tpu.memory_space<semaphore_mem>> -> memref<1x!tpu.dma_semaphore, #tpu.memory_space<semaphore_mem>>
    %dma_wait3A_184 = tpu.memref_squeeze %dma_wait3A_183 : memref<1x!tpu.dma_semaphore, #tpu.memory_space<semaphore_mem>> -> memref<!tpu.dma_semaphore, #tpu.memory_space<semaphore_mem>>
    %dma_wait3A_185 = arith.constant 0 : i32
    %dma_wait3A_186 = tpu.memref_slice %arg5[%dma_wait3A_177, %dma_wait3A_185] : memref<4x800xi32, #tpu.memory_space<vmem>> -> memref<1x800xi32, #tpu.memory_space<vmem>>
    %dma_wait3A_187 = tpu.memref_squeeze %dma_wait3A_186 : memref<1x800xi32, #tpu.memory_space<vmem>> -> memref<800xi32, #tpu.memory_space<vmem>>
    %dma_wait3A_188 = tpu.memref_slice %arg2[%add3A_176] : memref<819200xi32, #tpu.memory_space<hbm>> -> memref<800xi32, #tpu.memory_space<hbm>>
    tpu.wait_dma2 semaphore(%dma_wait3A_184 : memref<!tpu.dma_semaphore, #tpu.memory_space<semaphore_mem>>) src(%dma_wait3A_188 : memref<800xi32, #tpu.memory_space<hbm>>) dst(%dma_wait3A_187 : memref<800xi32, #tpu.memory_space<vmem>>)
    %dma_start3A_189 = arith.constant 3 : i32
    %dma_start3A_190 = arith.constant 3 : i32
    %dma_start3A_191 = arith.constant 3 : i32
    %dma_start3A_192 = arith.constant 0 : i32
    %dma_start3A_193 = arith.constant 0 : i32
    %dma_start3A_194 = tpu.memref_slice %arg6[%dma_start3A_190, %dma_start3A_192, %dma_start3A_193] : memref<4x800x32xf32, #tpu.memory_space<vmem>> -> memref<1x800x32xf32, #tpu.memory_space<vmem>>
    %dma_start3A_195 = tpu.memref_squeeze %dma_start3A_194 : memref<1x800x32xf32, #tpu.memory_space<vmem>> -> memref<800x32xf32, #tpu.memory_space<vmem>>
    %dma_start3A_196 = arith.constant 0 : i32
    %dma_start3A_197 = tpu.memref_slice %arg5[%dma_start3A_189, %dma_start3A_196] : memref<4x800xi32, #tpu.memory_space<vmem>> -> memref<1x800xi32, #tpu.memory_space<vmem>>
    %dma_start3A_198 = tpu.memref_squeeze %dma_start3A_197 : memref<1x800xi32, #tpu.memory_space<vmem>> -> memref<800xi32, #tpu.memory_space<vmem>>
    %dma_start3A_199 = arith.constant 0 : i32
    %dma_start3A_200 = arith.constant 0 : i32
    %dma_start3A_201 = tpu.memref_slice %arg3[%dma_start3A_199, %dma_start3A_200] : memref<1000000x32xf32, #tpu.memory_space<hbm>> -> memref<1000000x32xf32, #tpu.memory_space<hbm>>
    %dma_start3A_202 = tpu.memref_slice %arg8[%dma_start3A_191] : memref<4x!tpu.dma_semaphore, #tpu.memory_space<semaphore_mem>> -> memref<1x!tpu.dma_semaphore, #tpu.memory_space<semaphore_mem>>
    %dma_start3A_203 = tpu.memref_squeeze %dma_start3A_202 : memref<1x!tpu.dma_semaphore, #tpu.memory_space<semaphore_mem>> -> memref<!tpu.dma_semaphore, #tpu.memory_space<semaphore_mem>>
    tpu.enqueue_indirect_dma source(%dma_start3A_201 : memref<1000000x32xf32, #tpu.memory_space<hbm>>) target(%dma_start3A_195 : memref<800x32xf32, #tpu.memory_space<vmem>>) offsets(%dma_start3A_198 : memref<800xi32, #tpu.memory_space<vmem>>) semaphore(%dma_start3A_203 : memref<!tpu.dma_semaphore, #tpu.memory_space<semaphore_mem>>)
    %dma_wait3A_204 = arith.constant 0 : i32
    %dma_wait3A_205 = arith.constant 0 : i32
    %dma_wait3A_206 = arith.constant 0 : i32
    %dma_wait3A_207 = arith.constant 0 : i32
    %dma_wait3A_208 = arith.constant 0 : i32
    %dma_wait3A_209 = tpu.memref_slice %arg6[%dma_wait3A_205, %dma_wait3A_207, %dma_wait3A_208] : memref<4x800x32xf32, #tpu.memory_space<vmem>> -> memref<1x800x32xf32, #tpu.memory_space<vmem>>
    %dma_wait3A_210 = tpu.memref_squeeze %dma_wait3A_209 : memref<1x800x32xf32, #tpu.memory_space<vmem>> -> memref<800x32xf32, #tpu.memory_space<vmem>>
    %dma_wait3A_211 = arith.constant 0 : i32
    %dma_wait3A_212 = tpu.memref_slice %arg5[%dma_wait3A_204, %dma_wait3A_211] : memref<4x800xi32, #tpu.memory_space<vmem>> -> memref<1x800xi32, #tpu.memory_space<vmem>>
    %dma_wait3A_213 = tpu.memref_squeeze %dma_wait3A_212 : memref<1x800xi32, #tpu.memory_space<vmem>> -> memref<800xi32, #tpu.memory_space<vmem>>
    %dma_wait3A_214 = arith.constant 0 : i32
    %dma_wait3A_215 = arith.constant 0 : i32
    %dma_wait3A_216 = tpu.memref_slice %arg3[%dma_wait3A_214, %dma_wait3A_215] : memref<1000000x32xf32, #tpu.memory_space<hbm>> -> memref<1000000x32xf32, #tpu.memory_space<hbm>>
    %dma_wait3A_217 = tpu.memref_slice %arg8[%dma_wait3A_206] : memref<4x!tpu.dma_semaphore, #tpu.memory_space<semaphore_mem>> -> memref<1x!tpu.dma_semaphore, #tpu.memory_space<semaphore_mem>>
    %dma_wait3A_218 = tpu.memref_squeeze %dma_wait3A_217 : memref<1x!tpu.dma_semaphore, #tpu.memory_space<semaphore_mem>> -> memref<!tpu.dma_semaphore, #tpu.memory_space<semaphore_mem>>
    tpu.wait_indirect_dma semaphore(%dma_wait3A_218 : memref<!tpu.dma_semaphore, #tpu.memory_space<semaphore_mem>>) src(%dma_wait3A_216 : memref<1000000x32xf32, #tpu.memory_space<hbm>>) dst(%dma_wait3A_210 : memref<800x32xf32, #tpu.memory_space<vmem>>)
    %add3A_219 = arith.constant 0 : i32
    %add3A_220 = arith.addi %mul3A_2, %add3A_219 : i32
    %dma_start3A_221 = arith.constant 0 : i32
    %dma_start3A_222 = arith.constant 0 : i32
    %dma_start3A_223 = arith.constant 0 : i32
    %dma_start3A_224 = arith.constant 0 : i32
    %dma_start3A_225 = tpu.memref_slice %arg6[%dma_start3A_221, %dma_start3A_223, %dma_start3A_224] : memref<4x800x32xf32, #tpu.memory_space<vmem>> -> memref<1x800x32xf32, #tpu.memory_space<vmem>>
    %dma_start3A_226 = tpu.memref_squeeze %dma_start3A_225 : memref<1x800x32xf32, #tpu.memory_space<vmem>> -> memref<800x32xf32, #tpu.memory_space<vmem>>
    %dma_start3A_227 = arith.constant 0 : i32
    %dma_start3A_228 = tpu.memref_slice %arg4[%add3A_220, %dma_start3A_227] : memref<819200x32xf32, #tpu.memory_space<hbm>> -> memref<800x32xf32, #tpu.memory_space<hbm>>
    %dma_start3A_229 = tpu.memref_slice %arg9[%dma_start3A_222] : memref<4x!tpu.dma_semaphore, #tpu.memory_space<semaphore_mem>> -> memref<1x!tpu.dma_semaphore, #tpu.memory_space<semaphore_mem>>
    %dma_start3A_230 = tpu.memref_squeeze %dma_start3A_229 : memref<1x!tpu.dma_semaphore, #tpu.memory_space<semaphore_mem>> -> memref<!tpu.dma_semaphore, #tpu.memory_space<semaphore_mem>>
    %dma_start3A_231 = arith.constant 0 : i32
    %dma_start3A_232 = tpu.memref_slice %arg4[%add3A_220, %dma_start3A_231] : memref<819200x32xf32, #tpu.memory_space<hbm>> -> memref<800x32xf32, #tpu.memory_space<hbm>>
    %dma_start3A_233 = arith.constant 0 : i32
    %dma_start3A_234 = arith.constant 0 : i32
    %dma_start3A_235 = tpu.memref_slice %arg6[%dma_start3A_221, %dma_start3A_233, %dma_start3A_234] : memref<4x800x32xf32, #tpu.memory_space<vmem>> -> memref<1x800x32xf32, #tpu.memory_space<vmem>>
    %dma_start3A_236 = tpu.memref_squeeze %dma_start3A_235 : memref<1x800x32xf32, #tpu.memory_space<vmem>> -> memref<800x32xf32, #tpu.memory_space<vmem>>
    tpu.enqueue_dma source(%dma_start3A_236 : memref<800x32xf32, #tpu.memory_space<vmem>>) target(%dma_start3A_232 : memref<800x32xf32, #tpu.memory_space<hbm>>) target_semaphore(%dma_start3A_230 : memref<!tpu.dma_semaphore, #tpu.memory_space<semaphore_mem>>)
    %rem3A_237 = arith.constant 4 : i32
    %rem3A_238 = arith.constant 32 : i32
    %rem3A_239 = arith.remsi %rem3A_237, %rem3A_238 : i32
    %mul3A_240 = arith.constant 800 : i32
    %mul3A_241 = arith.muli %rem3A_239, %mul3A_240 : i32
    %add3A_242 = arith.addi %mul3A_2, %mul3A_241 : i32
    %dma_start3A_243 = arith.constant 0 : i32
    %dma_start3A_244 = arith.constant 0 : i32
    %dma_start3A_245 = arith.constant 0 : i32
    %dma_start3A_246 = tpu.memref_slice %arg5[%dma_start3A_243, %dma_start3A_245] : memref<4x800xi32, #tpu.memory_space<vmem>> -> memref<1x800xi32, #tpu.memory_space<vmem>>
    %dma_start3A_247 = tpu.memref_squeeze %dma_start3A_246 : memref<1x800xi32, #tpu.memory_space<vmem>> -> memref<800xi32, #tpu.memory_space<vmem>>
    %dma_start3A_248 = tpu.memref_slice %arg2[%add3A_242] : memref<819200xi32, #tpu.memory_space<hbm>> -> memref<800xi32, #tpu.memory_space<hbm>>
    %dma_start3A_249 = tpu.memref_slice %arg7[%dma_start3A_244] : memref<4x!tpu.dma_semaphore, #tpu.memory_space<semaphore_mem>> -> memref<1x!tpu.dma_semaphore, #tpu.memory_space<semaphore_mem>>
    %dma_start3A_250 = tpu.memref_squeeze %dma_start3A_249 : memref<1x!tpu.dma_semaphore, #tpu.memory_space<semaphore_mem>> -> memref<!tpu.dma_semaphore, #tpu.memory_space<semaphore_mem>>
    %dma_start3A_251 = arith.constant 0 : i32
    %dma_start3A_252 = tpu.memref_slice %arg5[%dma_start3A_243, %dma_start3A_251] : memref<4x800xi32, #tpu.memory_space<vmem>> -> memref<1x800xi32, #tpu.memory_space<vmem>>
    %dma_start3A_253 = tpu.memref_squeeze %dma_start3A_252 : memref<1x800xi32, #tpu.memory_space<vmem>> -> memref<800xi32, #tpu.memory_space<vmem>>
    %dma_start3A_254 = tpu.memref_slice %arg2[%add3A_242] : memref<819200xi32, #tpu.memory_space<hbm>> -> memref<800xi32, #tpu.memory_space<hbm>>
    tpu.enqueue_dma source(%dma_start3A_254 : memref<800xi32, #tpu.memory_space<hbm>>) target(%dma_start3A_253 : memref<800xi32, #tpu.memory_space<vmem>>) target_semaphore(%dma_start3A_250 : memref<!tpu.dma_semaphore, #tpu.memory_space<semaphore_mem>>)
    %dma_wait3A_255 = arith.constant 1 : i32
    %dma_wait3A_256 = arith.constant 1 : i32
    %dma_wait3A_257 = arith.constant 1 : i32
    %dma_wait3A_258 = arith.constant 0 : i32
    %dma_wait3A_259 = arith.constant 0 : i32
    %dma_wait3A_260 = tpu.memref_slice %arg6[%dma_wait3A_256, %dma_wait3A_258, %dma_wait3A_259] : memref<4x800x32xf32, #tpu.memory_space<vmem>> -> memref<1x800x32xf32, #tpu.memory_space<vmem>>
    %dma_wait3A_261 = tpu.memref_squeeze %dma_wait3A_260 : memref<1x800x32xf32, #tpu.memory_space<vmem>> -> memref<800x32xf32, #tpu.memory_space<vmem>>
    %dma_wait3A_262 = arith.constant 0 : i32
    %dma_wait3A_263 = tpu.memref_slice %arg5[%dma_wait3A_255, %dma_wait3A_262] : memref<4x800xi32, #tpu.memory_space<vmem>> -> memref<1x800xi32, #tpu.memory_space<vmem>>
    %dma_wait3A_264 = tpu.memref_squeeze %dma_wait3A_263 : memref<1x800xi32, #tpu.memory_space<vmem>> -> memref<800xi32, #tpu.memory_space<vmem>>
    %dma_wait3A_265 = arith.constant 0 : i32
    %dma_wait3A_266 = arith.constant 0 : i32
    %dma_wait3A_267 = tpu.memref_slice %arg3[%dma_wait3A_265, %dma_wait3A_266] : memref<1000000x32xf32, #tpu.memory_space<hbm>> -> memref<1000000x32xf32, #tpu.memory_space<hbm>>
    %dma_wait3A_268 = tpu.memref_slice %arg8[%dma_wait3A_257] : memref<4x!tpu.dma_semaphore, #tpu.memory_space<semaphore_mem>> -> memref<1x!tpu.dma_semaphore, #tpu.memory_space<semaphore_mem>>
    %dma_wait3A_269 = tpu.memref_squeeze %dma_wait3A_268 : memref<1x!tpu.dma_semaphore, #tpu.memory_space<semaphore_mem>> -> memref<!tpu.dma_semaphore, #tpu.memory_space<semaphore_mem>>
    tpu.wait_indirect_dma semaphore(%dma_wait3A_269 : memref<!tpu.dma_semaphore, #tpu.memory_space<semaphore_mem>>) src(%dma_wait3A_267 : memref<1000000x32xf32, #tpu.memory_space<hbm>>) dst(%dma_wait3A_261 : memref<800x32xf32, #tpu.memory_space<vmem>>)
    %add3A_270 = arith.constant 800 : i32
    %add3A_271 = arith.addi %mul3A_2, %add3A_270 : i32
    %dma_start3A_272 = arith.constant 1 : i32
    %dma_start3A_273 = arith.constant 1 : i32
    %dma_start3A_274 = arith.constant 0 : i32
    %dma_start3A_275 = arith.constant 0 : i32
    %dma_start3A_276 = tpu.memref_slice %arg6[%dma_start3A_272, %dma_start3A_274, %dma_start3A_275] : memref<4x800x32xf32, #tpu.memory_space<vmem>> -> memref<1x800x32xf32, #tpu.memory_space<vmem>>
    %dma_start3A_277 = tpu.memref_squeeze %dma_start3A_276 : memref<1x800x32xf32, #tpu.memory_space<vmem>> -> memref<800x32xf32, #tpu.memory_space<vmem>>
    %dma_start3A_278 = arith.constant 0 : i32
    %dma_start3A_279 = tpu.memref_slice %arg4[%add3A_271, %dma_start3A_278] : memref<819200x32xf32, #tpu.memory_space<hbm>> -> memref<800x32xf32, #tpu.memory_space<hbm>>
    %dma_start3A_280 = tpu.memref_slice %arg9[%dma_start3A_273] : memref<4x!tpu.dma_semaphore, #tpu.memory_space<semaphore_mem>> -> memref<1x!tpu.dma_semaphore, #tpu.memory_space<semaphore_mem>>
    %dma_start3A_281 = tpu.memref_squeeze %dma_start3A_280 : memref<1x!tpu.dma_semaphore, #tpu.memory_space<semaphore_mem>> -> memref<!tpu.dma_semaphore, #tpu.memory_space<semaphore_mem>>
    %dma_start3A_282 = arith.constant 0 : i32
    %dma_start3A_283 = tpu.memref_slice %arg4[%add3A_271, %dma_start3A_282] : memref<819200x32xf32, #tpu.memory_space<hbm>> -> memref<800x32xf32, #tpu.memory_space<hbm>>
    %dma_start3A_284 = arith.constant 0 : i32
    %dma_start3A_285 = arith.constant 0 : i32
    %dma_start3A_286 = tpu.memref_slice %arg6[%dma_start3A_272, %dma_start3A_284, %dma_start3A_285] : memref<4x800x32xf32, #tpu.memory_space<vmem>> -> memref<1x800x32xf32, #tpu.memory_space<vmem>>
    %dma_start3A_287 = tpu.memref_squeeze %dma_start3A_286 : memref<1x800x32xf32, #tpu.memory_space<vmem>> -> memref<800x32xf32, #tpu.memory_space<vmem>>
    tpu.enqueue_dma source(%dma_start3A_287 : memref<800x32xf32, #tpu.memory_space<vmem>>) target(%dma_start3A_283 : memref<800x32xf32, #tpu.memory_space<hbm>>) target_semaphore(%dma_start3A_281 : memref<!tpu.dma_semaphore, #tpu.memory_space<semaphore_mem>>)
    %rem3A_288 = arith.constant 5 : i32
    %rem3A_289 = arith.constant 32 : i32
    %rem3A_290 = arith.remsi %rem3A_288, %rem3A_289 : i32
    %mul3A_291 = arith.constant 800 : i32
    %mul3A_292 = arith.muli %rem3A_290, %mul3A_291 : i32
    %add3A_293 = arith.addi %mul3A_2, %mul3A_292 : i32
    %dma_start3A_294 = arith.constant 1 : i32
    %dma_start3A_295 = arith.constant 1 : i32
    %dma_start3A_296 = arith.constant 0 : i32
    %dma_start3A_297 = tpu.memref_slice %arg5[%dma_start3A_294, %dma_start3A_296] : memref<4x800xi32, #tpu.memory_space<vmem>> -> memref<1x800xi32, #tpu.memory_space<vmem>>
    %dma_start3A_298 = tpu.memref_squeeze %dma_start3A_297 : memref<1x800xi32, #tpu.memory_space<vmem>> -> memref<800xi32, #tpu.memory_space<vmem>>
    %dma_start3A_299 = tpu.memref_slice %arg2[%add3A_293] : memref<819200xi32, #tpu.memory_space<hbm>> -> memref<800xi32, #tpu.memory_space<hbm>>
    %dma_start3A_300 = tpu.memref_slice %arg7[%dma_start3A_295] : memref<4x!tpu.dma_semaphore, #tpu.memory_space<semaphore_mem>> -> memref<1x!tpu.dma_semaphore, #tpu.memory_space<semaphore_mem>>
    %dma_start3A_301 = tpu.memref_squeeze %dma_start3A_300 : memref<1x!tpu.dma_semaphore, #tpu.memory_space<semaphore_mem>> -> memref<!tpu.dma_semaphore, #tpu.memory_space<semaphore_mem>>
    %dma_start3A_302 = arith.constant 0 : i32
    %dma_start3A_303 = tpu.memref_slice %arg5[%dma_start3A_294, %dma_start3A_302] : memref<4x800xi32, #tpu.memory_space<vmem>> -> memref<1x800xi32, #tpu.memory_space<vmem>>
    %dma_start3A_304 = tpu.memref_squeeze %dma_start3A_303 : memref<1x800xi32, #tpu.memory_space<vmem>> -> memref<800xi32, #tpu.memory_space<vmem>>
    %dma_start3A_305 = tpu.memref_slice %arg2[%add3A_293] : memref<819200xi32, #tpu.memory_space<hbm>> -> memref<800xi32, #tpu.memory_space<hbm>>
    tpu.enqueue_dma source(%dma_start3A_305 : memref<800xi32, #tpu.memory_space<hbm>>) target(%dma_start3A_304 : memref<800xi32, #tpu.memory_space<vmem>>) target_semaphore(%dma_start3A_301 : memref<!tpu.dma_semaphore, #tpu.memory_space<semaphore_mem>>)
    %scan3A = arith.constant 0 : i32
    %scan3A_306 = arith.constant 1 : i32
    %scan3A_307 = arith.constant 7 : i32
    %scan3A_308 = arith.addi %scan3A_306, %scan3A_307 : i32
    %scan3A_309 = arith.constant 1 : i32
    scf.for %scan3A_485 = %scan3A_306 to %scan3A_308 step %scan3A_309  : i32 {
      %mul3A_486 = arith.constant 4 : i32
      %mul3A_487 = arith.muli %scan3A_485, %mul3A_486 : i32
      %add3A_488 = arith.constant 0 : i32
      %add3A_489 = arith.addi %mul3A_487, %add3A_488 : i32
      %sub3A = arith.constant 4 : i32
      %sub3A_490 = arith.subi %add3A_489, %sub3A : i32
      %mul3A_491 = arith.constant 800 : i32
      %mul3A_492 = arith.muli %sub3A_490, %mul3A_491 : i32
      %add3A_493 = arith.addi %mul3A_2, %mul3A_492 : i32
      %dma_wait3A_494 = arith.constant 0 : i32
      %dma_wait3A_495 = arith.constant 0 : i32
      %dma_wait3A_496 = arith.constant 0 : i32
      %dma_wait3A_497 = arith.constant 0 : i32
      %dma_wait3A_498 = tpu.memref_slice %arg6[%dma_wait3A_494, %dma_wait3A_496, %dma_wait3A_497] : memref<4x800x32xf32, #tpu.memory_space<vmem>> -> memref<1x800x32xf32, #tpu.memory_space<vmem>>
      %dma_wait3A_499 = tpu.memref_squeeze %dma_wait3A_498 : memref<1x800x32xf32, #tpu.memory_space<vmem>> -> memref<800x32xf32, #tpu.memory_space<vmem>>
      %dma_wait3A_500 = arith.constant 0 : i32
      %dma_wait3A_501 = tpu.memref_slice %arg4[%add3A_493, %dma_wait3A_500] : memref<819200x32xf32, #tpu.memory_space<hbm>> -> memref<800x32xf32, #tpu.memory_space<hbm>>
      %dma_wait3A_502 = tpu.memref_slice %arg9[%dma_wait3A_495] : memref<4x!tpu.dma_semaphore, #tpu.memory_space<semaphore_mem>> -> memref<1x!tpu.dma_semaphore, #tpu.memory_space<semaphore_mem>>
      %dma_wait3A_503 = tpu.memref_squeeze %dma_wait3A_502 : memref<1x!tpu.dma_semaphore, #tpu.memory_space<semaphore_mem>> -> memref<!tpu.dma_semaphore, #tpu.memory_space<semaphore_mem>>
      %dma_wait3A_504 = arith.constant 0 : i32
      %dma_wait3A_505 = tpu.memref_slice %arg4[%add3A_493, %dma_wait3A_504] : memref<819200x32xf32, #tpu.memory_space<hbm>> -> memref<800x32xf32, #tpu.memory_space<hbm>>
      %dma_wait3A_506 = arith.constant 0 : i32
      %dma_wait3A_507 = arith.constant 0 : i32
      %dma_wait3A_508 = tpu.memref_slice %arg6[%dma_wait3A_494, %dma_wait3A_506, %dma_wait3A_507] : memref<4x800x32xf32, #tpu.memory_space<vmem>> -> memref<1x800x32xf32, #tpu.memory_space<vmem>>
      %dma_wait3A_509 = tpu.memref_squeeze %dma_wait3A_508 : memref<1x800x32xf32, #tpu.memory_space<vmem>> -> memref<800x32xf32, #tpu.memory_space<vmem>>
      tpu.wait_dma2 semaphore(%dma_wait3A_503 : memref<!tpu.dma_semaphore, #tpu.memory_space<semaphore_mem>>) src(%dma_wait3A_509 : memref<800x32xf32, #tpu.memory_space<vmem>>) dst(%dma_wait3A_505 : memref<800x32xf32, #tpu.memory_space<hbm>>)
      %rem3A_510 = arith.constant 32 : i32
      %rem3A_511 = arith.remsi %add3A_489, %rem3A_510 : i32
      %mul3A_512 = arith.constant 800 : i32
      %mul3A_513 = arith.muli %rem3A_511, %mul3A_512 : i32
      %add3A_514 = arith.addi %mul3A_2, %mul3A_513 : i32
      %dma_wait3A_515 = arith.constant 0 : i32
      %dma_wait3A_516 = arith.constant 0 : i32
      %dma_wait3A_517 = arith.constant 0 : i32
      %dma_wait3A_518 = tpu.memref_slice %arg5[%dma_wait3A_515, %dma_wait3A_517] : memref<4x800xi32, #tpu.memory_space<vmem>> -> memref<1x800xi32, #tpu.memory_space<vmem>>
      %dma_wait3A_519 = tpu.memref_squeeze %dma_wait3A_518 : memref<1x800xi32, #tpu.memory_space<vmem>> -> memref<800xi32, #tpu.memory_space<vmem>>
      %dma_wait3A_520 = tpu.memref_slice %arg2[%add3A_514] : memref<819200xi32, #tpu.memory_space<hbm>> -> memref<800xi32, #tpu.memory_space<hbm>>
      %dma_wait3A_521 = tpu.memref_slice %arg7[%dma_wait3A_516] : memref<4x!tpu.dma_semaphore, #tpu.memory_space<semaphore_mem>> -> memref<1x!tpu.dma_semaphore, #tpu.memory_space<semaphore_mem>>
      %dma_wait3A_522 = tpu.memref_squeeze %dma_wait3A_521 : memref<1x!tpu.dma_semaphore, #tpu.memory_space<semaphore_mem>> -> memref<!tpu.dma_semaphore, #tpu.memory_space<semaphore_mem>>
      %dma_wait3A_523 = arith.constant 0 : i32
      %dma_wait3A_524 = tpu.memref_slice %arg5[%dma_wait3A_515, %dma_wait3A_523] : memref<4x800xi32, #tpu.memory_space<vmem>> -> memref<1x800xi32, #tpu.memory_space<vmem>>
      %dma_wait3A_525 = tpu.memref_squeeze %dma_wait3A_524 : memref<1x800xi32, #tpu.memory_space<vmem>> -> memref<800xi32, #tpu.memory_space<vmem>>
      %dma_wait3A_526 = tpu.memref_slice %arg2[%add3A_514] : memref<819200xi32, #tpu.memory_space<hbm>> -> memref<800xi32, #tpu.memory_space<hbm>>
      tpu.wait_dma2 semaphore(%dma_wait3A_522 : memref<!tpu.dma_semaphore, #tpu.memory_space<semaphore_mem>>) src(%dma_wait3A_526 : memref<800xi32, #tpu.memory_space<hbm>>) dst(%dma_wait3A_525 : memref<800xi32, #tpu.memory_space<vmem>>)
      %dma_start3A_527 = arith.constant 0 : i32
      %dma_start3A_528 = arith.constant 0 : i32
      %dma_start3A_529 = arith.constant 0 : i32
      %dma_start3A_530 = arith.constant 0 : i32
      %dma_start3A_531 = arith.constant 0 : i32
      %dma_start3A_532 = tpu.memref_slice %arg6[%dma_start3A_528, %dma_start3A_530, %dma_start3A_531] : memref<4x800x32xf32, #tpu.memory_space<vmem>> -> memref<1x800x32xf32, #tpu.memory_space<vmem>>
      %dma_start3A_533 = tpu.memref_squeeze %dma_start3A_532 : memref<1x800x32xf32, #tpu.memory_space<vmem>> -> memref<800x32xf32, #tpu.memory_space<vmem>>
      %dma_start3A_534 = arith.constant 0 : i32
      %dma_start3A_535 = tpu.memref_slice %arg5[%dma_start3A_527, %dma_start3A_534] : memref<4x800xi32, #tpu.memory_space<vmem>> -> memref<1x800xi32, #tpu.memory_space<vmem>>
      %dma_start3A_536 = tpu.memref_squeeze %dma_start3A_535 : memref<1x800xi32, #tpu.memory_space<vmem>> -> memref<800xi32, #tpu.memory_space<vmem>>
      %dma_start3A_537 = arith.constant 0 : i32
      %dma_start3A_538 = arith.constant 0 : i32
      %dma_start3A_539 = tpu.memref_slice %arg3[%dma_start3A_537, %dma_start3A_538] : memref<1000000x32xf32, #tpu.memory_space<hbm>> -> memref<1000000x32xf32, #tpu.memory_space<hbm>>
      %dma_start3A_540 = tpu.memref_slice %arg8[%dma_start3A_529] : memref<4x!tpu.dma_semaphore, #tpu.memory_space<semaphore_mem>> -> memref<1x!tpu.dma_semaphore, #tpu.memory_space<semaphore_mem>>
      %dma_start3A_541 = tpu.memref_squeeze %dma_start3A_540 : memref<1x!tpu.dma_semaphore, #tpu.memory_space<semaphore_mem>> -> memref<!tpu.dma_semaphore, #tpu.memory_space<semaphore_mem>>
      tpu.enqueue_indirect_dma source(%dma_start3A_539 : memref<1000000x32xf32, #tpu.memory_space<hbm>>) target(%dma_start3A_533 : memref<800x32xf32, #tpu.memory_space<vmem>>) offsets(%dma_start3A_536 : memref<800xi32, #tpu.memory_space<vmem>>) semaphore(%dma_start3A_541 : memref<!tpu.dma_semaphore, #tpu.memory_space<semaphore_mem>>)
      %dma_wait3A_542 = arith.constant 2 : i32
      %dma_wait3A_543 = arith.constant 2 : i32
      %dma_wait3A_544 = arith.constant 2 : i32
      %dma_wait3A_545 = arith.constant 0 : i32
      %dma_wait3A_546 = arith.constant 0 : i32
      %dma_wait3A_547 = tpu.memref_slice %arg6[%dma_wait3A_543, %dma_wait3A_545, %dma_wait3A_546] : memref<4x800x32xf32, #tpu.memory_space<vmem>> -> memref<1x800x32xf32, #tpu.memory_space<vmem>>
      %dma_wait3A_548 = tpu.memref_squeeze %dma_wait3A_547 : memref<1x800x32xf32, #tpu.memory_space<vmem>> -> memref<800x32xf32, #tpu.memory_space<vmem>>
      %dma_wait3A_549 = arith.constant 0 : i32
      %dma_wait3A_550 = tpu.memref_slice %arg5[%dma_wait3A_542, %dma_wait3A_549] : memref<4x800xi32, #tpu.memory_space<vmem>> -> memref<1x800xi32, #tpu.memory_space<vmem>>
      %dma_wait3A_551 = tpu.memref_squeeze %dma_wait3A_550 : memref<1x800xi32, #tpu.memory_space<vmem>> -> memref<800xi32, #tpu.memory_space<vmem>>
      %dma_wait3A_552 = arith.constant 0 : i32
      %dma_wait3A_553 = arith.constant 0 : i32
      %dma_wait3A_554 = tpu.memref_slice %arg3[%dma_wait3A_552, %dma_wait3A_553] : memref<1000000x32xf32, #tpu.memory_space<hbm>> -> memref<1000000x32xf32, #tpu.memory_space<hbm>>
      %dma_wait3A_555 = tpu.memref_slice %arg8[%dma_wait3A_544] : memref<4x!tpu.dma_semaphore, #tpu.memory_space<semaphore_mem>> -> memref<1x!tpu.dma_semaphore, #tpu.memory_space<semaphore_mem>>
      %dma_wait3A_556 = tpu.memref_squeeze %dma_wait3A_555 : memref<1x!tpu.dma_semaphore, #tpu.memory_space<semaphore_mem>> -> memref<!tpu.dma_semaphore, #tpu.memory_space<semaphore_mem>>
      tpu.wait_indirect_dma semaphore(%dma_wait3A_556 : memref<!tpu.dma_semaphore, #tpu.memory_space<semaphore_mem>>) src(%dma_wait3A_554 : memref<1000000x32xf32, #tpu.memory_space<hbm>>) dst(%dma_wait3A_548 : memref<800x32xf32, #tpu.memory_space<vmem>>)
      %sub3A_557 = arith.constant 2 : i32
      %sub3A_558 = arith.subi %add3A_489, %sub3A_557 : i32
      %mul3A_559 = arith.constant 800 : i32
      %mul3A_560 = arith.muli %sub3A_558, %mul3A_559 : i32
      %add3A_561 = arith.addi %mul3A_2, %mul3A_560 : i32
      %dma_start3A_562 = arith.constant 2 : i32
      %dma_start3A_563 = arith.constant 2 : i32
      %dma_start3A_564 = arith.constant 0 : i32
      %dma_start3A_565 = arith.constant 0 : i32
      %dma_start3A_566 = tpu.memref_slice %arg6[%dma_start3A_562, %dma_start3A_564, %dma_start3A_565] : memref<4x800x32xf32, #tpu.memory_space<vmem>> -> memref<1x800x32xf32, #tpu.memory_space<vmem>>
      %dma_start3A_567 = tpu.memref_squeeze %dma_start3A_566 : memref<1x800x32xf32, #tpu.memory_space<vmem>> -> memref<800x32xf32, #tpu.memory_space<vmem>>
      %dma_start3A_568 = arith.constant 0 : i32
      %dma_start3A_569 = tpu.memref_slice %arg4[%add3A_561, %dma_start3A_568] : memref<819200x32xf32, #tpu.memory_space<hbm>> -> memref<800x32xf32, #tpu.memory_space<hbm>>
      %dma_start3A_570 = tpu.memref_slice %arg9[%dma_start3A_563] : memref<4x!tpu.dma_semaphore, #tpu.memory_space<semaphore_mem>> -> memref<1x!tpu.dma_semaphore, #tpu.memory_space<semaphore_mem>>
      %dma_start3A_571 = tpu.memref_squeeze %dma_start3A_570 : memref<1x!tpu.dma_semaphore, #tpu.memory_space<semaphore_mem>> -> memref<!tpu.dma_semaphore, #tpu.memory_space<semaphore_mem>>
      %dma_start3A_572 = arith.constant 0 : i32
      %dma_start3A_573 = tpu.memref_slice %arg4[%add3A_561, %dma_start3A_572] : memref<819200x32xf32, #tpu.memory_space<hbm>> -> memref<800x32xf32, #tpu.memory_space<hbm>>
      %dma_start3A_574 = arith.constant 0 : i32
      %dma_start3A_575 = arith.constant 0 : i32
      %dma_start3A_576 = tpu.memref_slice %arg6[%dma_start3A_562, %dma_start3A_574, %dma_start3A_575] : memref<4x800x32xf32, #tpu.memory_space<vmem>> -> memref<1x800x32xf32, #tpu.memory_space<vmem>>
      %dma_start3A_577 = tpu.memref_squeeze %dma_start3A_576 : memref<1x800x32xf32, #tpu.memory_space<vmem>> -> memref<800x32xf32, #tpu.memory_space<vmem>>
      tpu.enqueue_dma source(%dma_start3A_577 : memref<800x32xf32, #tpu.memory_space<vmem>>) target(%dma_start3A_573 : memref<800x32xf32, #tpu.memory_space<hbm>>) target_semaphore(%dma_start3A_571 : memref<!tpu.dma_semaphore, #tpu.memory_space<semaphore_mem>>)
      %sub3A_578 = arith.constant 2 : i32
      %sub3A_579 = arith.subi %add3A_489, %sub3A_578 : i32
      %add3A_580 = arith.constant 4 : i32
      %add3A_581 = arith.addi %sub3A_579, %add3A_580 : i32
      %rem3A_582 = arith.constant 32 : i32
      %rem3A_583 = arith.remsi %add3A_581, %rem3A_582 : i32
      %mul3A_584 = arith.constant 800 : i32
      %mul3A_585 = arith.muli %rem3A_583, %mul3A_584 : i32
      %add3A_586 = arith.addi %mul3A_2, %mul3A_585 : i32
      %dma_start3A_587 = arith.constant 2 : i32
      %dma_start3A_588 = arith.constant 2 : i32
      %dma_start3A_589 = arith.constant 0 : i32
      %dma_start3A_590 = tpu.memref_slice %arg5[%dma_start3A_587, %dma_start3A_589] : memref<4x800xi32, #tpu.memory_space<vmem>> -> memref<1x800xi32, #tpu.memory_space<vmem>>
      %dma_start3A_591 = tpu.memref_squeeze %dma_start3A_590 : memref<1x800xi32, #tpu.memory_space<vmem>> -> memref<800xi32, #tpu.memory_space<vmem>>
      %dma_start3A_592 = tpu.memref_slice %arg2[%add3A_586] : memref<819200xi32, #tpu.memory_space<hbm>> -> memref<800xi32, #tpu.memory_space<hbm>>
      %dma_start3A_593 = tpu.memref_slice %arg7[%dma_start3A_588] : memref<4x!tpu.dma_semaphore, #tpu.memory_space<semaphore_mem>> -> memref<1x!tpu.dma_semaphore, #tpu.memory_space<semaphore_mem>>
      %dma_start3A_594 = tpu.memref_squeeze %dma_start3A_593 : memref<1x!tpu.dma_semaphore, #tpu.memory_space<semaphore_mem>> -> memref<!tpu.dma_semaphore, #tpu.memory_space<semaphore_mem>>
      %dma_start3A_595 = arith.constant 0 : i32
      %dma_start3A_596 = tpu.memref_slice %arg5[%dma_start3A_587, %dma_start3A_595] : memref<4x800xi32, #tpu.memory_space<vmem>> -> memref<1x800xi32, #tpu.memory_space<vmem>>
      %dma_start3A_597 = tpu.memref_squeeze %dma_start3A_596 : memref<1x800xi32, #tpu.memory_space<vmem>> -> memref<800xi32, #tpu.memory_space<vmem>>
      %dma_start3A_598 = tpu.memref_slice %arg2[%add3A_586] : memref<819200xi32, #tpu.memory_space<hbm>> -> memref<800xi32, #tpu.memory_space<hbm>>
      tpu.enqueue_dma source(%dma_start3A_598 : memref<800xi32, #tpu.memory_space<hbm>>) target(%dma_start3A_597 : memref<800xi32, #tpu.memory_space<vmem>>) target_semaphore(%dma_start3A_594 : memref<!tpu.dma_semaphore, #tpu.memory_space<semaphore_mem>>)
      %mul3A_599 = arith.constant 4 : i32
      %mul3A_600 = arith.muli %scan3A_485, %mul3A_599 : i32
      %add3A_601 = arith.constant 1 : i32
      %add3A_602 = arith.addi %mul3A_600, %add3A_601 : i32
      %sub3A_603 = arith.constant 4 : i32
      %sub3A_604 = arith.subi %add3A_602, %sub3A_603 : i32
      %mul3A_605 = arith.constant 800 : i32
      %mul3A_606 = arith.muli %sub3A_604, %mul3A_605 : i32
      %add3A_607 = arith.addi %mul3A_2, %mul3A_606 : i32
      %dma_wait3A_608 = arith.constant 1 : i32
      %dma_wait3A_609 = arith.constant 1 : i32
      %dma_wait3A_610 = arith.constant 0 : i32
      %dma_wait3A_611 = arith.constant 0 : i32
      %dma_wait3A_612 = tpu.memref_slice %arg6[%dma_wait3A_608, %dma_wait3A_610, %dma_wait3A_611] : memref<4x800x32xf32, #tpu.memory_space<vmem>> -> memref<1x800x32xf32, #tpu.memory_space<vmem>>
      %dma_wait3A_613 = tpu.memref_squeeze %dma_wait3A_612 : memref<1x800x32xf32, #tpu.memory_space<vmem>> -> memref<800x32xf32, #tpu.memory_space<vmem>>
      %dma_wait3A_614 = arith.constant 0 : i32
      %dma_wait3A_615 = tpu.memref_slice %arg4[%add3A_607, %dma_wait3A_614] : memref<819200x32xf32, #tpu.memory_space<hbm>> -> memref<800x32xf32, #tpu.memory_space<hbm>>
      %dma_wait3A_616 = tpu.memref_slice %arg9[%dma_wait3A_609] : memref<4x!tpu.dma_semaphore, #tpu.memory_space<semaphore_mem>> -> memref<1x!tpu.dma_semaphore, #tpu.memory_space<semaphore_mem>>
      %dma_wait3A_617 = tpu.memref_squeeze %dma_wait3A_616 : memref<1x!tpu.dma_semaphore, #tpu.memory_space<semaphore_mem>> -> memref<!tpu.dma_semaphore, #tpu.memory_space<semaphore_mem>>
      %dma_wait3A_618 = arith.constant 0 : i32
      %dma_wait3A_619 = tpu.memref_slice %arg4[%add3A_607, %dma_wait3A_618] : memref<819200x32xf32, #tpu.memory_space<hbm>> -> memref<800x32xf32, #tpu.memory_space<hbm>>
      %dma_wait3A_620 = arith.constant 0 : i32
      %dma_wait3A_621 = arith.constant 0 : i32
      %dma_wait3A_622 = tpu.memref_slice %arg6[%dma_wait3A_608, %dma_wait3A_620, %dma_wait3A_621] : memref<4x800x32xf32, #tpu.memory_space<vmem>> -> memref<1x800x32xf32, #tpu.memory_space<vmem>>
      %dma_wait3A_623 = tpu.memref_squeeze %dma_wait3A_622 : memref<1x800x32xf32, #tpu.memory_space<vmem>> -> memref<800x32xf32, #tpu.memory_space<vmem>>
      tpu.wait_dma2 semaphore(%dma_wait3A_617 : memref<!tpu.dma_semaphore, #tpu.memory_space<semaphore_mem>>) src(%dma_wait3A_623 : memref<800x32xf32, #tpu.memory_space<vmem>>) dst(%dma_wait3A_619 : memref<800x32xf32, #tpu.memory_space<hbm>>)
      %rem3A_624 = arith.constant 32 : i32
      %rem3A_625 = arith.remsi %add3A_602, %rem3A_624 : i32
      %mul3A_626 = arith.constant 800 : i32
      %mul3A_627 = arith.muli %rem3A_625, %mul3A_626 : i32
      %add3A_628 = arith.addi %mul3A_2, %mul3A_627 : i32
      %dma_wait3A_629 = arith.constant 1 : i32
      %dma_wait3A_630 = arith.constant 1 : i32
      %dma_wait3A_631 = arith.constant 0 : i32
      %dma_wait3A_632 = tpu.memref_slice %arg5[%dma_wait3A_629, %dma_wait3A_631] : memref<4x800xi32, #tpu.memory_space<vmem>> -> memref<1x800xi32, #tpu.memory_space<vmem>>
      %dma_wait3A_633 = tpu.memref_squeeze %dma_wait3A_632 : memref<1x800xi32, #tpu.memory_space<vmem>> -> memref<800xi32, #tpu.memory_space<vmem>>
      %dma_wait3A_634 = tpu.memref_slice %arg2[%add3A_628] : memref<819200xi32, #tpu.memory_space<hbm>> -> memref<800xi32, #tpu.memory_space<hbm>>
      %dma_wait3A_635 = tpu.memref_slice %arg7[%dma_wait3A_630] : memref<4x!tpu.dma_semaphore, #tpu.memory_space<semaphore_mem>> -> memref<1x!tpu.dma_semaphore, #tpu.memory_space<semaphore_mem>>
      %dma_wait3A_636 = tpu.memref_squeeze %dma_wait3A_635 : memref<1x!tpu.dma_semaphore, #tpu.memory_space<semaphore_mem>> -> memref<!tpu.dma_semaphore, #tpu.memory_space<semaphore_mem>>
      %dma_wait3A_637 = arith.constant 0 : i32
      %dma_wait3A_638 = tpu.memref_slice %arg5[%dma_wait3A_629, %dma_wait3A_637] : memref<4x800xi32, #tpu.memory_space<vmem>> -> memref<1x800xi32, #tpu.memory_space<vmem>>
      %dma_wait3A_639 = tpu.memref_squeeze %dma_wait3A_638 : memref<1x800xi32, #tpu.memory_space<vmem>> -> memref<800xi32, #tpu.memory_space<vmem>>
      %dma_wait3A_640 = tpu.memref_slice %arg2[%add3A_628] : memref<819200xi32, #tpu.memory_space<hbm>> -> memref<800xi32, #tpu.memory_space<hbm>>
      tpu.wait_dma2 semaphore(%dma_wait3A_636 : memref<!tpu.dma_semaphore, #tpu.memory_space<semaphore_mem>>) src(%dma_wait3A_640 : memref<800xi32, #tpu.memory_space<hbm>>) dst(%dma_wait3A_639 : memref<800xi32, #tpu.memory_space<vmem>>)
      %dma_start3A_641 = arith.constant 1 : i32
      %dma_start3A_642 = arith.constant 1 : i32
      %dma_start3A_643 = arith.constant 1 : i32
      %dma_start3A_644 = arith.constant 0 : i32
      %dma_start3A_645 = arith.constant 0 : i32
      %dma_start3A_646 = tpu.memref_slice %arg6[%dma_start3A_642, %dma_start3A_644, %dma_start3A_645] : memref<4x800x32xf32, #tpu.memory_space<vmem>> -> memref<1x800x32xf32, #tpu.memory_space<vmem>>
      %dma_start3A_647 = tpu.memref_squeeze %dma_start3A_646 : memref<1x800x32xf32, #tpu.memory_space<vmem>> -> memref<800x32xf32, #tpu.memory_space<vmem>>
      %dma_start3A_648 = arith.constant 0 : i32
      %dma_start3A_649 = tpu.memref_slice %arg5[%dma_start3A_641, %dma_start3A_648] : memref<4x800xi32, #tpu.memory_space<vmem>> -> memref<1x800xi32, #tpu.memory_space<vmem>>
      %dma_start3A_650 = tpu.memref_squeeze %dma_start3A_649 : memref<1x800xi32, #tpu.memory_space<vmem>> -> memref<800xi32, #tpu.memory_space<vmem>>
      %dma_start3A_651 = arith.constant 0 : i32
      %dma_start3A_652 = arith.constant 0 : i32
      %dma_start3A_653 = tpu.memref_slice %arg3[%dma_start3A_651, %dma_start3A_652] : memref<1000000x32xf32, #tpu.memory_space<hbm>> -> memref<1000000x32xf32, #tpu.memory_space<hbm>>
      %dma_start3A_654 = tpu.memref_slice %arg8[%dma_start3A_643] : memref<4x!tpu.dma_semaphore, #tpu.memory_space<semaphore_mem>> -> memref<1x!tpu.dma_semaphore, #tpu.memory_space<semaphore_mem>>
      %dma_start3A_655 = tpu.memref_squeeze %dma_start3A_654 : memref<1x!tpu.dma_semaphore, #tpu.memory_space<semaphore_mem>> -> memref<!tpu.dma_semaphore, #tpu.memory_space<semaphore_mem>>
      tpu.enqueue_indirect_dma source(%dma_start3A_653 : memref<1000000x32xf32, #tpu.memory_space<hbm>>) target(%dma_start3A_647 : memref<800x32xf32, #tpu.memory_space<vmem>>) offsets(%dma_start3A_650 : memref<800xi32, #tpu.memory_space<vmem>>) semaphore(%dma_start3A_655 : memref<!tpu.dma_semaphore, #tpu.memory_space<semaphore_mem>>)
      %dma_wait3A_656 = arith.constant 3 : i32
      %dma_wait3A_657 = arith.constant 3 : i32
      %dma_wait3A_658 = arith.constant 3 : i32
      %dma_wait3A_659 = arith.constant 0 : i32
      %dma_wait3A_660 = arith.constant 0 : i32
      %dma_wait3A_661 = tpu.memref_slice %arg6[%dma_wait3A_657, %dma_wait3A_659, %dma_wait3A_660] : memref<4x800x32xf32, #tpu.memory_space<vmem>> -> memref<1x800x32xf32, #tpu.memory_space<vmem>>
      %dma_wait3A_662 = tpu.memref_squeeze %dma_wait3A_661 : memref<1x800x32xf32, #tpu.memory_space<vmem>> -> memref<800x32xf32, #tpu.memory_space<vmem>>
      %dma_wait3A_663 = arith.constant 0 : i32
      %dma_wait3A_664 = tpu.memref_slice %arg5[%dma_wait3A_656, %dma_wait3A_663] : memref<4x800xi32, #tpu.memory_space<vmem>> -> memref<1x800xi32, #tpu.memory_space<vmem>>
      %dma_wait3A_665 = tpu.memref_squeeze %dma_wait3A_664 : memref<1x800xi32, #tpu.memory_space<vmem>> -> memref<800xi32, #tpu.memory_space<vmem>>
      %dma_wait3A_666 = arith.constant 0 : i32
      %dma_wait3A_667 = arith.constant 0 : i32
      %dma_wait3A_668 = tpu.memref_slice %arg3[%dma_wait3A_666, %dma_wait3A_667] : memref<1000000x32xf32, #tpu.memory_space<hbm>> -> memref<1000000x32xf32, #tpu.memory_space<hbm>>
      %dma_wait3A_669 = tpu.memref_slice %arg8[%dma_wait3A_658] : memref<4x!tpu.dma_semaphore, #tpu.memory_space<semaphore_mem>> -> memref<1x!tpu.dma_semaphore, #tpu.memory_space<semaphore_mem>>
      %dma_wait3A_670 = tpu.memref_squeeze %dma_wait3A_669 : memref<1x!tpu.dma_semaphore, #tpu.memory_space<semaphore_mem>> -> memref<!tpu.dma_semaphore, #tpu.memory_space<semaphore_mem>>
      tpu.wait_indirect_dma semaphore(%dma_wait3A_670 : memref<!tpu.dma_semaphore, #tpu.memory_space<semaphore_mem>>) src(%dma_wait3A_668 : memref<1000000x32xf32, #tpu.memory_space<hbm>>) dst(%dma_wait3A_662 : memref<800x32xf32, #tpu.memory_space<vmem>>)
      %sub3A_671 = arith.constant 2 : i32
      %sub3A_672 = arith.subi %add3A_602, %sub3A_671 : i32
      %mul3A_673 = arith.constant 800 : i32
      %mul3A_674 = arith.muli %sub3A_672, %mul3A_673 : i32
      %add3A_675 = arith.addi %mul3A_2, %mul3A_674 : i32
      %dma_start3A_676 = arith.constant 3 : i32
      %dma_start3A_677 = arith.constant 3 : i32
      %dma_start3A_678 = arith.constant 0 : i32
      %dma_start3A_679 = arith.constant 0 : i32
      %dma_start3A_680 = tpu.memref_slice %arg6[%dma_start3A_676, %dma_start3A_678, %dma_start3A_679] : memref<4x800x32xf32, #tpu.memory_space<vmem>> -> memref<1x800x32xf32, #tpu.memory_space<vmem>>
      %dma_start3A_681 = tpu.memref_squeeze %dma_start3A_680 : memref<1x800x32xf32, #tpu.memory_space<vmem>> -> memref<800x32xf32, #tpu.memory_space<vmem>>
      %dma_start3A_682 = arith.constant 0 : i32
      %dma_start3A_683 = tpu.memref_slice %arg4[%add3A_675, %dma_start3A_682] : memref<819200x32xf32, #tpu.memory_space<hbm>> -> memref<800x32xf32, #tpu.memory_space<hbm>>
      %dma_start3A_684 = tpu.memref_slice %arg9[%dma_start3A_677] : memref<4x!tpu.dma_semaphore, #tpu.memory_space<semaphore_mem>> -> memref<1x!tpu.dma_semaphore, #tpu.memory_space<semaphore_mem>>
      %dma_start3A_685 = tpu.memref_squeeze %dma_start3A_684 : memref<1x!tpu.dma_semaphore, #tpu.memory_space<semaphore_mem>> -> memref<!tpu.dma_semaphore, #tpu.memory_space<semaphore_mem>>
      %dma_start3A_686 = arith.constant 0 : i32
      %dma_start3A_687 = tpu.memref_slice %arg4[%add3A_675, %dma_start3A_686] : memref<819200x32xf32, #tpu.memory_space<hbm>> -> memref<800x32xf32, #tpu.memory_space<hbm>>
      %dma_start3A_688 = arith.constant 0 : i32
      %dma_start3A_689 = arith.constant 0 : i32
      %dma_start3A_690 = tpu.memref_slice %arg6[%dma_start3A_676, %dma_start3A_688, %dma_start3A_689] : memref<4x800x32xf32, #tpu.memory_space<vmem>> -> memref<1x800x32xf32, #tpu.memory_space<vmem>>
      %dma_start3A_691 = tpu.memref_squeeze %dma_start3A_690 : memref<1x800x32xf32, #tpu.memory_space<vmem>> -> memref<800x32xf32, #tpu.memory_space<vmem>>
      tpu.enqueue_dma source(%dma_start3A_691 : memref<800x32xf32, #tpu.memory_space<vmem>>) target(%dma_start3A_687 : memref<800x32xf32, #tpu.memory_space<hbm>>) target_semaphore(%dma_start3A_685 : memref<!tpu.dma_semaphore, #tpu.memory_space<semaphore_mem>>)
      %sub3A_692 = arith.constant 2 : i32
      %sub3A_693 = arith.subi %add3A_602, %sub3A_692 : i32
      %add3A_694 = arith.constant 4 : i32
      %add3A_695 = arith.addi %sub3A_693, %add3A_694 : i32
      %rem3A_696 = arith.constant 32 : i32
      %rem3A_697 = arith.remsi %add3A_695, %rem3A_696 : i32
      %mul3A_698 = arith.constant 800 : i32
      %mul3A_699 = arith.muli %rem3A_697, %mul3A_698 : i32
      %add3A_700 = arith.addi %mul3A_2, %mul3A_699 : i32
      %dma_start3A_701 = arith.constant 3 : i32
      %dma_start3A_702 = arith.constant 3 : i32
      %dma_start3A_703 = arith.constant 0 : i32
      %dma_start3A_704 = tpu.memref_slice %arg5[%dma_start3A_701, %dma_start3A_703] : memref<4x800xi32, #tpu.memory_space<vmem>> -> memref<1x800xi32, #tpu.memory_space<vmem>>
      %dma_start3A_705 = tpu.memref_squeeze %dma_start3A_704 : memref<1x800xi32, #tpu.memory_space<vmem>> -> memref<800xi32, #tpu.memory_space<vmem>>
      %dma_start3A_706 = tpu.memref_slice %arg2[%add3A_700] : memref<819200xi32, #tpu.memory_space<hbm>> -> memref<800xi32, #tpu.memory_space<hbm>>
      %dma_start3A_707 = tpu.memref_slice %arg7[%dma_start3A_702] : memref<4x!tpu.dma_semaphore, #tpu.memory_space<semaphore_mem>> -> memref<1x!tpu.dma_semaphore, #tpu.memory_space<semaphore_mem>>
      %dma_start3A_708 = tpu.memref_squeeze %dma_start3A_707 : memref<1x!tpu.dma_semaphore, #tpu.memory_space<semaphore_mem>> -> memref<!tpu.dma_semaphore, #tpu.memory_space<semaphore_mem>>
      %dma_start3A_709 = arith.constant 0 : i32
      %dma_start3A_710 = tpu.memref_slice %arg5[%dma_start3A_701, %dma_start3A_709] : memref<4x800xi32, #tpu.memory_space<vmem>> -> memref<1x800xi32, #tpu.memory_space<vmem>>
      %dma_start3A_711 = tpu.memref_squeeze %dma_start3A_710 : memref<1x800xi32, #tpu.memory_space<vmem>> -> memref<800xi32, #tpu.memory_space<vmem>>
      %dma_start3A_712 = tpu.memref_slice %arg2[%add3A_700] : memref<819200xi32, #tpu.memory_space<hbm>> -> memref<800xi32, #tpu.memory_space<hbm>>
      tpu.enqueue_dma source(%dma_start3A_712 : memref<800xi32, #tpu.memory_space<hbm>>) target(%dma_start3A_711 : memref<800xi32, #tpu.memory_space<vmem>>) target_semaphore(%dma_start3A_708 : memref<!tpu.dma_semaphore, #tpu.memory_space<semaphore_mem>>)
      %mul3A_713 = arith.constant 4 : i32
      %mul3A_714 = arith.muli %scan3A_485, %mul3A_713 : i32
      %add3A_715 = arith.constant 2 : i32
      %add3A_716 = arith.addi %mul3A_714, %add3A_715 : i32
      %sub3A_717 = arith.constant 4 : i32
      %sub3A_718 = arith.subi %add3A_716, %sub3A_717 : i32
      %mul3A_719 = arith.constant 800 : i32
      %mul3A_720 = arith.muli %sub3A_718, %mul3A_719 : i32
      %add3A_721 = arith.addi %mul3A_2, %mul3A_720 : i32
      %dma_wait3A_722 = arith.constant 2 : i32
      %dma_wait3A_723 = arith.constant 2 : i32
      %dma_wait3A_724 = arith.constant 0 : i32
      %dma_wait3A_725 = arith.constant 0 : i32
      %dma_wait3A_726 = tpu.memref_slice %arg6[%dma_wait3A_722, %dma_wait3A_724, %dma_wait3A_725] : memref<4x800x32xf32, #tpu.memory_space<vmem>> -> memref<1x800x32xf32, #tpu.memory_space<vmem>>
      %dma_wait3A_727 = tpu.memref_squeeze %dma_wait3A_726 : memref<1x800x32xf32, #tpu.memory_space<vmem>> -> memref<800x32xf32, #tpu.memory_space<vmem>>
      %dma_wait3A_728 = arith.constant 0 : i32
      %dma_wait3A_729 = tpu.memref_slice %arg4[%add3A_721, %dma_wait3A_728] : memref<819200x32xf32, #tpu.memory_space<hbm>> -> memref<800x32xf32, #tpu.memory_space<hbm>>
      %dma_wait3A_730 = tpu.memref_slice %arg9[%dma_wait3A_723] : memref<4x!tpu.dma_semaphore, #tpu.memory_space<semaphore_mem>> -> memref<1x!tpu.dma_semaphore, #tpu.memory_space<semaphore_mem>>
      %dma_wait3A_731 = tpu.memref_squeeze %dma_wait3A_730 : memref<1x!tpu.dma_semaphore, #tpu.memory_space<semaphore_mem>> -> memref<!tpu.dma_semaphore, #tpu.memory_space<semaphore_mem>>
      %dma_wait3A_732 = arith.constant 0 : i32
      %dma_wait3A_733 = tpu.memref_slice %arg4[%add3A_721, %dma_wait3A_732] : memref<819200x32xf32, #tpu.memory_space<hbm>> -> memref<800x32xf32, #tpu.memory_space<hbm>>
      %dma_wait3A_734 = arith.constant 0 : i32
      %dma_wait3A_735 = arith.constant 0 : i32
      %dma_wait3A_736 = tpu.memref_slice %arg6[%dma_wait3A_722, %dma_wait3A_734, %dma_wait3A_735] : memref<4x800x32xf32, #tpu.memory_space<vmem>> -> memref<1x800x32xf32, #tpu.memory_space<vmem>>
      %dma_wait3A_737 = tpu.memref_squeeze %dma_wait3A_736 : memref<1x800x32xf32, #tpu.memory_space<vmem>> -> memref<800x32xf32, #tpu.memory_space<vmem>>
      tpu.wait_dma2 semaphore(%dma_wait3A_731 : memref<!tpu.dma_semaphore, #tpu.memory_space<semaphore_mem>>) src(%dma_wait3A_737 : memref<800x32xf32, #tpu.memory_space<vmem>>) dst(%dma_wait3A_733 : memref<800x32xf32, #tpu.memory_space<hbm>>)
      %rem3A_738 = arith.constant 32 : i32
      %rem3A_739 = arith.remsi %add3A_716, %rem3A_738 : i32
      %mul3A_740 = arith.constant 800 : i32
      %mul3A_741 = arith.muli %rem3A_739, %mul3A_740 : i32
      %add3A_742 = arith.addi %mul3A_2, %mul3A_741 : i32
      %dma_wait3A_743 = arith.constant 2 : i32
      %dma_wait3A_744 = arith.constant 2 : i32
      %dma_wait3A_745 = arith.constant 0 : i32
      %dma_wait3A_746 = tpu.memref_slice %arg5[%dma_wait3A_743, %dma_wait3A_745] : memref<4x800xi32, #tpu.memory_space<vmem>> -> memref<1x800xi32, #tpu.memory_space<vmem>>
      %dma_wait3A_747 = tpu.memref_squeeze %dma_wait3A_746 : memref<1x800xi32, #tpu.memory_space<vmem>> -> memref<800xi32, #tpu.memory_space<vmem>>
      %dma_wait3A_748 = tpu.memref_slice %arg2[%add3A_742] : memref<819200xi32, #tpu.memory_space<hbm>> -> memref<800xi32, #tpu.memory_space<hbm>>
      %dma_wait3A_749 = tpu.memref_slice %arg7[%dma_wait3A_744] : memref<4x!tpu.dma_semaphore, #tpu.memory_space<semaphore_mem>> -> memref<1x!tpu.dma_semaphore, #tpu.memory_space<semaphore_mem>>
      %dma_wait3A_750 = tpu.memref_squeeze %dma_wait3A_749 : memref<1x!tpu.dma_semaphore, #tpu.memory_space<semaphore_mem>> -> memref<!tpu.dma_semaphore, #tpu.memory_space<semaphore_mem>>
      %dma_wait3A_751 = arith.constant 0 : i32
      %dma_wait3A_752 = tpu.memref_slice %arg5[%dma_wait3A_743, %dma_wait3A_751] : memref<4x800xi32, #tpu.memory_space<vmem>> -> memref<1x800xi32, #tpu.memory_space<vmem>>
      %dma_wait3A_753 = tpu.memref_squeeze %dma_wait3A_752 : memref<1x800xi32, #tpu.memory_space<vmem>> -> memref<800xi32, #tpu.memory_space<vmem>>
      %dma_wait3A_754 = tpu.memref_slice %arg2[%add3A_742] : memref<819200xi32, #tpu.memory_space<hbm>> -> memref<800xi32, #tpu.memory_space<hbm>>
      tpu.wait_dma2 semaphore(%dma_wait3A_750 : memref<!tpu.dma_semaphore, #tpu.memory_space<semaphore_mem>>) src(%dma_wait3A_754 : memref<800xi32, #tpu.memory_space<hbm>>) dst(%dma_wait3A_753 : memref<800xi32, #tpu.memory_space<vmem>>)
      %dma_start3A_755 = arith.constant 2 : i32
      %dma_start3A_756 = arith.constant 2 : i32
      %dma_start3A_757 = arith.constant 2 : i32
      %dma_start3A_758 = arith.constant 0 : i32
      %dma_start3A_759 = arith.constant 0 : i32
      %dma_start3A_760 = tpu.memref_slice %arg6[%dma_start3A_756, %dma_start3A_758, %dma_start3A_759] : memref<4x800x32xf32, #tpu.memory_space<vmem>> -> memref<1x800x32xf32, #tpu.memory_space<vmem>>
      %dma_start3A_761 = tpu.memref_squeeze %dma_start3A_760 : memref<1x800x32xf32, #tpu.memory_space<vmem>> -> memref<800x32xf32, #tpu.memory_space<vmem>>
      %dma_start3A_762 = arith.constant 0 : i32
      %dma_start3A_763 = tpu.memref_slice %arg5[%dma_start3A_755, %dma_start3A_762] : memref<4x800xi32, #tpu.memory_space<vmem>> -> memref<1x800xi32, #tpu.memory_space<vmem>>
      %dma_start3A_764 = tpu.memref_squeeze %dma_start3A_763 : memref<1x800xi32, #tpu.memory_space<vmem>> -> memref<800xi32, #tpu.memory_space<vmem>>
      %dma_start3A_765 = arith.constant 0 : i32
      %dma_start3A_766 = arith.constant 0 : i32
      %dma_start3A_767 = tpu.memref_slice %arg3[%dma_start3A_765, %dma_start3A_766] : memref<1000000x32xf32, #tpu.memory_space<hbm>> -> memref<1000000x32xf32, #tpu.memory_space<hbm>>
      %dma_start3A_768 = tpu.memref_slice %arg8[%dma_start3A_757] : memref<4x!tpu.dma_semaphore, #tpu.memory_space<semaphore_mem>> -> memref<1x!tpu.dma_semaphore, #tpu.memory_space<semaphore_mem>>
      %dma_start3A_769 = tpu.memref_squeeze %dma_start3A_768 : memref<1x!tpu.dma_semaphore, #tpu.memory_space<semaphore_mem>> -> memref<!tpu.dma_semaphore, #tpu.memory_space<semaphore_mem>>
      tpu.enqueue_indirect_dma source(%dma_start3A_767 : memref<1000000x32xf32, #tpu.memory_space<hbm>>) target(%dma_start3A_761 : memref<800x32xf32, #tpu.memory_space<vmem>>) offsets(%dma_start3A_764 : memref<800xi32, #tpu.memory_space<vmem>>) semaphore(%dma_start3A_769 : memref<!tpu.dma_semaphore, #tpu.memory_space<semaphore_mem>>)
      %dma_wait3A_770 = arith.constant 0 : i32
      %dma_wait3A_771 = arith.constant 0 : i32
      %dma_wait3A_772 = arith.constant 0 : i32
      %dma_wait3A_773 = arith.constant 0 : i32
      %dma_wait3A_774 = arith.constant 0 : i32
      %dma_wait3A_775 = tpu.memref_slice %arg6[%dma_wait3A_771, %dma_wait3A_773, %dma_wait3A_774] : memref<4x800x32xf32, #tpu.memory_space<vmem>> -> memref<1x800x32xf32, #tpu.memory_space<vmem>>
      %dma_wait3A_776 = tpu.memref_squeeze %dma_wait3A_775 : memref<1x800x32xf32, #tpu.memory_space<vmem>> -> memref<800x32xf32, #tpu.memory_space<vmem>>
      %dma_wait3A_777 = arith.constant 0 : i32
      %dma_wait3A_778 = tpu.memref_slice %arg5[%dma_wait3A_770, %dma_wait3A_777] : memref<4x800xi32, #tpu.memory_space<vmem>> -> memref<1x800xi32, #tpu.memory_space<vmem>>
      %dma_wait3A_779 = tpu.memref_squeeze %dma_wait3A_778 : memref<1x800xi32, #tpu.memory_space<vmem>> -> memref<800xi32, #tpu.memory_space<vmem>>
      %dma_wait3A_780 = arith.constant 0 : i32
      %dma_wait3A_781 = arith.constant 0 : i32
      %dma_wait3A_782 = tpu.memref_slice %arg3[%dma_wait3A_780, %dma_wait3A_781] : memref<1000000x32xf32, #tpu.memory_space<hbm>> -> memref<1000000x32xf32, #tpu.memory_space<hbm>>
      %dma_wait3A_783 = tpu.memref_slice %arg8[%dma_wait3A_772] : memref<4x!tpu.dma_semaphore, #tpu.memory_space<semaphore_mem>> -> memref<1x!tpu.dma_semaphore, #tpu.memory_space<semaphore_mem>>
      %dma_wait3A_784 = tpu.memref_squeeze %dma_wait3A_783 : memref<1x!tpu.dma_semaphore, #tpu.memory_space<semaphore_mem>> -> memref<!tpu.dma_semaphore, #tpu.memory_space<semaphore_mem>>
      tpu.wait_indirect_dma semaphore(%dma_wait3A_784 : memref<!tpu.dma_semaphore, #tpu.memory_space<semaphore_mem>>) src(%dma_wait3A_782 : memref<1000000x32xf32, #tpu.memory_space<hbm>>) dst(%dma_wait3A_776 : memref<800x32xf32, #tpu.memory_space<vmem>>)
      %sub3A_785 = arith.constant 2 : i32
      %sub3A_786 = arith.subi %add3A_716, %sub3A_785 : i32
      %mul3A_787 = arith.constant 800 : i32
      %mul3A_788 = arith.muli %sub3A_786, %mul3A_787 : i32
      %add3A_789 = arith.addi %mul3A_2, %mul3A_788 : i32
      %dma_start3A_790 = arith.constant 0 : i32
      %dma_start3A_791 = arith.constant 0 : i32
      %dma_start3A_792 = arith.constant 0 : i32
      %dma_start3A_793 = arith.constant 0 : i32
      %dma_start3A_794 = tpu.memref_slice %arg6[%dma_start3A_790, %dma_start3A_792, %dma_start3A_793] : memref<4x800x32xf32, #tpu.memory_space<vmem>> -> memref<1x800x32xf32, #tpu.memory_space<vmem>>
      %dma_start3A_795 = tpu.memref_squeeze %dma_start3A_794 : memref<1x800x32xf32, #tpu.memory_space<vmem>> -> memref<800x32xf32, #tpu.memory_space<vmem>>
      %dma_start3A_796 = arith.constant 0 : i32
      %dma_start3A_797 = tpu.memref_slice %arg4[%add3A_789, %dma_start3A_796] : memref<819200x32xf32, #tpu.memory_space<hbm>> -> memref<800x32xf32, #tpu.memory_space<hbm>>
      %dma_start3A_798 = tpu.memref_slice %arg9[%dma_start3A_791] : memref<4x!tpu.dma_semaphore, #tpu.memory_space<semaphore_mem>> -> memref<1x!tpu.dma_semaphore, #tpu.memory_space<semaphore_mem>>
      %dma_start3A_799 = tpu.memref_squeeze %dma_start3A_798 : memref<1x!tpu.dma_semaphore, #tpu.memory_space<semaphore_mem>> -> memref<!tpu.dma_semaphore, #tpu.memory_space<semaphore_mem>>
      %dma_start3A_800 = arith.constant 0 : i32
      %dma_start3A_801 = tpu.memref_slice %arg4[%add3A_789, %dma_start3A_800] : memref<819200x32xf32, #tpu.memory_space<hbm>> -> memref<800x32xf32, #tpu.memory_space<hbm>>
      %dma_start3A_802 = arith.constant 0 : i32
      %dma_start3A_803 = arith.constant 0 : i32
      %dma_start3A_804 = tpu.memref_slice %arg6[%dma_start3A_790, %dma_start3A_802, %dma_start3A_803] : memref<4x800x32xf32, #tpu.memory_space<vmem>> -> memref<1x800x32xf32, #tpu.memory_space<vmem>>
      %dma_start3A_805 = tpu.memref_squeeze %dma_start3A_804 : memref<1x800x32xf32, #tpu.memory_space<vmem>> -> memref<800x32xf32, #tpu.memory_space<vmem>>
      tpu.enqueue_dma source(%dma_start3A_805 : memref<800x32xf32, #tpu.memory_space<vmem>>) target(%dma_start3A_801 : memref<800x32xf32, #tpu.memory_space<hbm>>) target_semaphore(%dma_start3A_799 : memref<!tpu.dma_semaphore, #tpu.memory_space<semaphore_mem>>)
      %sub3A_806 = arith.constant 2 : i32
      %sub3A_807 = arith.subi %add3A_716, %sub3A_806 : i32
      %add3A_808 = arith.constant 4 : i32
      %add3A_809 = arith.addi %sub3A_807, %add3A_808 : i32
      %rem3A_810 = arith.constant 32 : i32
      %rem3A_811 = arith.remsi %add3A_809, %rem3A_810 : i32
      %mul3A_812 = arith.constant 800 : i32
      %mul3A_813 = arith.muli %rem3A_811, %mul3A_812 : i32
      %add3A_814 = arith.addi %mul3A_2, %mul3A_813 : i32
      %dma_start3A_815 = arith.constant 0 : i32
      %dma_start3A_816 = arith.constant 0 : i32
      %dma_start3A_817 = arith.constant 0 : i32
      %dma_start3A_818 = tpu.memref_slice %arg5[%dma_start3A_815, %dma_start3A_817] : memref<4x800xi32, #tpu.memory_space<vmem>> -> memref<1x800xi32, #tpu.memory_space<vmem>>
      %dma_start3A_819 = tpu.memref_squeeze %dma_start3A_818 : memref<1x800xi32, #tpu.memory_space<vmem>> -> memref<800xi32, #tpu.memory_space<vmem>>
      %dma_start3A_820 = tpu.memref_slice %arg2[%add3A_814] : memref<819200xi32, #tpu.memory_space<hbm>> -> memref<800xi32, #tpu.memory_space<hbm>>
      %dma_start3A_821 = tpu.memref_slice %arg7[%dma_start3A_816] : memref<4x!tpu.dma_semaphore, #tpu.memory_space<semaphore_mem>> -> memref<1x!tpu.dma_semaphore, #tpu.memory_space<semaphore_mem>>
      %dma_start3A_822 = tpu.memref_squeeze %dma_start3A_821 : memref<1x!tpu.dma_semaphore, #tpu.memory_space<semaphore_mem>> -> memref<!tpu.dma_semaphore, #tpu.memory_space<semaphore_mem>>
      %dma_start3A_823 = arith.constant 0 : i32
      %dma_start3A_824 = tpu.memref_slice %arg5[%dma_start3A_815, %dma_start3A_823] : memref<4x800xi32, #tpu.memory_space<vmem>> -> memref<1x800xi32, #tpu.memory_space<vmem>>
      %dma_start3A_825 = tpu.memref_squeeze %dma_start3A_824 : memref<1x800xi32, #tpu.memory_space<vmem>> -> memref<800xi32, #tpu.memory_space<vmem>>
      %dma_start3A_826 = tpu.memref_slice %arg2[%add3A_814] : memref<819200xi32, #tpu.memory_space<hbm>> -> memref<800xi32, #tpu.memory_space<hbm>>
      tpu.enqueue_dma source(%dma_start3A_826 : memref<800xi32, #tpu.memory_space<hbm>>) target(%dma_start3A_825 : memref<800xi32, #tpu.memory_space<vmem>>) target_semaphore(%dma_start3A_822 : memref<!tpu.dma_semaphore, #tpu.memory_space<semaphore_mem>>)
      %mul3A_827 = arith.constant 4 : i32
      %mul3A_828 = arith.muli %scan3A_485, %mul3A_827 : i32
      %add3A_829 = arith.constant 3 : i32
      %add3A_830 = arith.addi %mul3A_828, %add3A_829 : i32
      %sub3A_831 = arith.constant 4 : i32
      %sub3A_832 = arith.subi %add3A_830, %sub3A_831 : i32
      %mul3A_833 = arith.constant 800 : i32
      %mul3A_834 = arith.muli %sub3A_832, %mul3A_833 : i32
      %add3A_835 = arith.addi %mul3A_2, %mul3A_834 : i32
      %dma_wait3A_836 = arith.constant 3 : i32
      %dma_wait3A_837 = arith.constant 3 : i32
      %dma_wait3A_838 = arith.constant 0 : i32
      %dma_wait3A_839 = arith.constant 0 : i32
      %dma_wait3A_840 = tpu.memref_slice %arg6[%dma_wait3A_836, %dma_wait3A_838, %dma_wait3A_839] : memref<4x800x32xf32, #tpu.memory_space<vmem>> -> memref<1x800x32xf32, #tpu.memory_space<vmem>>
      %dma_wait3A_841 = tpu.memref_squeeze %dma_wait3A_840 : memref<1x800x32xf32, #tpu.memory_space<vmem>> -> memref<800x32xf32, #tpu.memory_space<vmem>>
      %dma_wait3A_842 = arith.constant 0 : i32
      %dma_wait3A_843 = tpu.memref_slice %arg4[%add3A_835, %dma_wait3A_842] : memref<819200x32xf32, #tpu.memory_space<hbm>> -> memref<800x32xf32, #tpu.memory_space<hbm>>
      %dma_wait3A_844 = tpu.memref_slice %arg9[%dma_wait3A_837] : memref<4x!tpu.dma_semaphore, #tpu.memory_space<semaphore_mem>> -> memref<1x!tpu.dma_semaphore, #tpu.memory_space<semaphore_mem>>
      %dma_wait3A_845 = tpu.memref_squeeze %dma_wait3A_844 : memref<1x!tpu.dma_semaphore, #tpu.memory_space<semaphore_mem>> -> memref<!tpu.dma_semaphore, #tpu.memory_space<semaphore_mem>>
      %dma_wait3A_846 = arith.constant 0 : i32
      %dma_wait3A_847 = tpu.memref_slice %arg4[%add3A_835, %dma_wait3A_846] : memref<819200x32xf32, #tpu.memory_space<hbm>> -> memref<800x32xf32, #tpu.memory_space<hbm>>
      %dma_wait3A_848 = arith.constant 0 : i32
      %dma_wait3A_849 = arith.constant 0 : i32
      %dma_wait3A_850 = tpu.memref_slice %arg6[%dma_wait3A_836, %dma_wait3A_848, %dma_wait3A_849] : memref<4x800x32xf32, #tpu.memory_space<vmem>> -> memref<1x800x32xf32, #tpu.memory_space<vmem>>
      %dma_wait3A_851 = tpu.memref_squeeze %dma_wait3A_850 : memref<1x800x32xf32, #tpu.memory_space<vmem>> -> memref<800x32xf32, #tpu.memory_space<vmem>>
      tpu.wait_dma2 semaphore(%dma_wait3A_845 : memref<!tpu.dma_semaphore, #tpu.memory_space<semaphore_mem>>) src(%dma_wait3A_851 : memref<800x32xf32, #tpu.memory_space<vmem>>) dst(%dma_wait3A_847 : memref<800x32xf32, #tpu.memory_space<hbm>>)
      %rem3A_852 = arith.constant 32 : i32
      %rem3A_853 = arith.remsi %add3A_830, %rem3A_852 : i32
      %mul3A_854 = arith.constant 800 : i32
      %mul3A_855 = arith.muli %rem3A_853, %mul3A_854 : i32
      %add3A_856 = arith.addi %mul3A_2, %mul3A_855 : i32
      %dma_wait3A_857 = arith.constant 3 : i32
      %dma_wait3A_858 = arith.constant 3 : i32
      %dma_wait3A_859 = arith.constant 0 : i32
      %dma_wait3A_860 = tpu.memref_slice %arg5[%dma_wait3A_857, %dma_wait3A_859] : memref<4x800xi32, #tpu.memory_space<vmem>> -> memref<1x800xi32, #tpu.memory_space<vmem>>
      %dma_wait3A_861 = tpu.memref_squeeze %dma_wait3A_860 : memref<1x800xi32, #tpu.memory_space<vmem>> -> memref<800xi32, #tpu.memory_space<vmem>>
      %dma_wait3A_862 = tpu.memref_slice %arg2[%add3A_856] : memref<819200xi32, #tpu.memory_space<hbm>> -> memref<800xi32, #tpu.memory_space<hbm>>
      %dma_wait3A_863 = tpu.memref_slice %arg7[%dma_wait3A_858] : memref<4x!tpu.dma_semaphore, #tpu.memory_space<semaphore_mem>> -> memref<1x!tpu.dma_semaphore, #tpu.memory_space<semaphore_mem>>
      %dma_wait3A_864 = tpu.memref_squeeze %dma_wait3A_863 : memref<1x!tpu.dma_semaphore, #tpu.memory_space<semaphore_mem>> -> memref<!tpu.dma_semaphore, #tpu.memory_space<semaphore_mem>>
      %dma_wait3A_865 = arith.constant 0 : i32
      %dma_wait3A_866 = tpu.memref_slice %arg5[%dma_wait3A_857, %dma_wait3A_865] : memref<4x800xi32, #tpu.memory_space<vmem>> -> memref<1x800xi32, #tpu.memory_space<vmem>>
      %dma_wait3A_867 = tpu.memref_squeeze %dma_wait3A_866 : memref<1x800xi32, #tpu.memory_space<vmem>> -> memref<800xi32, #tpu.memory_space<vmem>>
      %dma_wait3A_868 = tpu.memref_slice %arg2[%add3A_856] : memref<819200xi32, #tpu.memory_space<hbm>> -> memref<800xi32, #tpu.memory_space<hbm>>
      tpu.wait_dma2 semaphore(%dma_wait3A_864 : memref<!tpu.dma_semaphore, #tpu.memory_space<semaphore_mem>>) src(%dma_wait3A_868 : memref<800xi32, #tpu.memory_space<hbm>>) dst(%dma_wait3A_867 : memref<800xi32, #tpu.memory_space<vmem>>)
      %dma_start3A_869 = arith.constant 3 : i32
      %dma_start3A_870 = arith.constant 3 : i32
      %dma_start3A_871 = arith.constant 3 : i32
      %dma_start3A_872 = arith.constant 0 : i32
      %dma_start3A_873 = arith.constant 0 : i32
      %dma_start3A_874 = tpu.memref_slice %arg6[%dma_start3A_870, %dma_start3A_872, %dma_start3A_873] : memref<4x800x32xf32, #tpu.memory_space<vmem>> -> memref<1x800x32xf32, #tpu.memory_space<vmem>>
      %dma_start3A_875 = tpu.memref_squeeze %dma_start3A_874 : memref<1x800x32xf32, #tpu.memory_space<vmem>> -> memref<800x32xf32, #tpu.memory_space<vmem>>
      %dma_start3A_876 = arith.constant 0 : i32
      %dma_start3A_877 = tpu.memref_slice %arg5[%dma_start3A_869, %dma_start3A_876] : memref<4x800xi32, #tpu.memory_space<vmem>> -> memref<1x800xi32, #tpu.memory_space<vmem>>
      %dma_start3A_878 = tpu.memref_squeeze %dma_start3A_877 : memref<1x800xi32, #tpu.memory_space<vmem>> -> memref<800xi32, #tpu.memory_space<vmem>>
      %dma_start3A_879 = arith.constant 0 : i32
      %dma_start3A_880 = arith.constant 0 : i32
      %dma_start3A_881 = tpu.memref_slice %arg3[%dma_start3A_879, %dma_start3A_880] : memref<1000000x32xf32, #tpu.memory_space<hbm>> -> memref<1000000x32xf32, #tpu.memory_space<hbm>>
      %dma_start3A_882 = tpu.memref_slice %arg8[%dma_start3A_871] : memref<4x!tpu.dma_semaphore, #tpu.memory_space<semaphore_mem>> -> memref<1x!tpu.dma_semaphore, #tpu.memory_space<semaphore_mem>>
      %dma_start3A_883 = tpu.memref_squeeze %dma_start3A_882 : memref<1x!tpu.dma_semaphore, #tpu.memory_space<semaphore_mem>> -> memref<!tpu.dma_semaphore, #tpu.memory_space<semaphore_mem>>
      tpu.enqueue_indirect_dma source(%dma_start3A_881 : memref<1000000x32xf32, #tpu.memory_space<hbm>>) target(%dma_start3A_875 : memref<800x32xf32, #tpu.memory_space<vmem>>) offsets(%dma_start3A_878 : memref<800xi32, #tpu.memory_space<vmem>>) semaphore(%dma_start3A_883 : memref<!tpu.dma_semaphore, #tpu.memory_space<semaphore_mem>>)
      %dma_wait3A_884 = arith.constant 1 : i32
      %dma_wait3A_885 = arith.constant 1 : i32
      %dma_wait3A_886 = arith.constant 1 : i32
      %dma_wait3A_887 = arith.constant 0 : i32
      %dma_wait3A_888 = arith.constant 0 : i32
      %dma_wait3A_889 = tpu.memref_slice %arg6[%dma_wait3A_885, %dma_wait3A_887, %dma_wait3A_888] : memref<4x800x32xf32, #tpu.memory_space<vmem>> -> memref<1x800x32xf32, #tpu.memory_space<vmem>>
      %dma_wait3A_890 = tpu.memref_squeeze %dma_wait3A_889 : memref<1x800x32xf32, #tpu.memory_space<vmem>> -> memref<800x32xf32, #tpu.memory_space<vmem>>
      %dma_wait3A_891 = arith.constant 0 : i32
      %dma_wait3A_892 = tpu.memref_slice %arg5[%dma_wait3A_884, %dma_wait3A_891] : memref<4x800xi32, #tpu.memory_space<vmem>> -> memref<1x800xi32, #tpu.memory_space<vmem>>
      %dma_wait3A_893 = tpu.memref_squeeze %dma_wait3A_892 : memref<1x800xi32, #tpu.memory_space<vmem>> -> memref<800xi32, #tpu.memory_space<vmem>>
      %dma_wait3A_894 = arith.constant 0 : i32
      %dma_wait3A_895 = arith.constant 0 : i32
      %dma_wait3A_896 = tpu.memref_slice %arg3[%dma_wait3A_894, %dma_wait3A_895] : memref<1000000x32xf32, #tpu.memory_space<hbm>> -> memref<1000000x32xf32, #tpu.memory_space<hbm>>
      %dma_wait3A_897 = tpu.memref_slice %arg8[%dma_wait3A_886] : memref<4x!tpu.dma_semaphore, #tpu.memory_space<semaphore_mem>> -> memref<1x!tpu.dma_semaphore, #tpu.memory_space<semaphore_mem>>
      %dma_wait3A_898 = tpu.memref_squeeze %dma_wait3A_897 : memref<1x!tpu.dma_semaphore, #tpu.memory_space<semaphore_mem>> -> memref<!tpu.dma_semaphore, #tpu.memory_space<semaphore_mem>>
      tpu.wait_indirect_dma semaphore(%dma_wait3A_898 : memref<!tpu.dma_semaphore, #tpu.memory_space<semaphore_mem>>) src(%dma_wait3A_896 : memref<1000000x32xf32, #tpu.memory_space<hbm>>) dst(%dma_wait3A_890 : memref<800x32xf32, #tpu.memory_space<vmem>>)
      %sub3A_899 = arith.constant 2 : i32
      %sub3A_900 = arith.subi %add3A_830, %sub3A_899 : i32
      %mul3A_901 = arith.constant 800 : i32
      %mul3A_902 = arith.muli %sub3A_900, %mul3A_901 : i32
      %add3A_903 = arith.addi %mul3A_2, %mul3A_902 : i32
      %dma_start3A_904 = arith.constant 1 : i32
      %dma_start3A_905 = arith.constant 1 : i32
      %dma_start3A_906 = arith.constant 0 : i32
      %dma_start3A_907 = arith.constant 0 : i32
      %dma_start3A_908 = tpu.memref_slice %arg6[%dma_start3A_904, %dma_start3A_906, %dma_start3A_907] : memref<4x800x32xf32, #tpu.memory_space<vmem>> -> memref<1x800x32xf32, #tpu.memory_space<vmem>>
      %dma_start3A_909 = tpu.memref_squeeze %dma_start3A_908 : memref<1x800x32xf32, #tpu.memory_space<vmem>> -> memref<800x32xf32, #tpu.memory_space<vmem>>
      %dma_start3A_910 = arith.constant 0 : i32
      %dma_start3A_911 = tpu.memref_slice %arg4[%add3A_903, %dma_start3A_910] : memref<819200x32xf32, #tpu.memory_space<hbm>> -> memref<800x32xf32, #tpu.memory_space<hbm>>
      %dma_start3A_912 = tpu.memref_slice %arg9[%dma_start3A_905] : memref<4x!tpu.dma_semaphore, #tpu.memory_space<semaphore_mem>> -> memref<1x!tpu.dma_semaphore, #tpu.memory_space<semaphore_mem>>
      %dma_start3A_913 = tpu.memref_squeeze %dma_start3A_912 : memref<1x!tpu.dma_semaphore, #tpu.memory_space<semaphore_mem>> -> memref<!tpu.dma_semaphore, #tpu.memory_space<semaphore_mem>>
      %dma_start3A_914 = arith.constant 0 : i32
      %dma_start3A_915 = tpu.memref_slice %arg4[%add3A_903, %dma_start3A_914] : memref<819200x32xf32, #tpu.memory_space<hbm>> -> memref<800x32xf32, #tpu.memory_space<hbm>>
      %dma_start3A_916 = arith.constant 0 : i32
      %dma_start3A_917 = arith.constant 0 : i32
      %dma_start3A_918 = tpu.memref_slice %arg6[%dma_start3A_904, %dma_start3A_916, %dma_start3A_917] : memref<4x800x32xf32, #tpu.memory_space<vmem>> -> memref<1x800x32xf32, #tpu.memory_space<vmem>>
      %dma_start3A_919 = tpu.memref_squeeze %dma_start3A_918 : memref<1x800x32xf32, #tpu.memory_space<vmem>> -> memref<800x32xf32, #tpu.memory_space<vmem>>
      tpu.enqueue_dma source(%dma_start3A_919 : memref<800x32xf32, #tpu.memory_space<vmem>>) target(%dma_start3A_915 : memref<800x32xf32, #tpu.memory_space<hbm>>) target_semaphore(%dma_start3A_913 : memref<!tpu.dma_semaphore, #tpu.memory_space<semaphore_mem>>)
      %sub3A_920 = arith.constant 2 : i32
      %sub3A_921 = arith.subi %add3A_830, %sub3A_920 : i32
      %add3A_922 = arith.constant 4 : i32
      %add3A_923 = arith.addi %sub3A_921, %add3A_922 : i32
      %rem3A_924 = arith.constant 32 : i32
      %rem3A_925 = arith.remsi %add3A_923, %rem3A_924 : i32
      %mul3A_926 = arith.constant 800 : i32
      %mul3A_927 = arith.muli %rem3A_925, %mul3A_926 : i32
      %add3A_928 = arith.addi %mul3A_2, %mul3A_927 : i32
      %dma_start3A_929 = arith.constant 1 : i32
      %dma_start3A_930 = arith.constant 1 : i32
      %dma_start3A_931 = arith.constant 0 : i32
      %dma_start3A_932 = tpu.memref_slice %arg5[%dma_start3A_929, %dma_start3A_931] : memref<4x800xi32, #tpu.memory_space<vmem>> -> memref<1x800xi32, #tpu.memory_space<vmem>>
      %dma_start3A_933 = tpu.memref_squeeze %dma_start3A_932 : memref<1x800xi32, #tpu.memory_space<vmem>> -> memref<800xi32, #tpu.memory_space<vmem>>
      %dma_start3A_934 = tpu.memref_slice %arg2[%add3A_928] : memref<819200xi32, #tpu.memory_space<hbm>> -> memref<800xi32, #tpu.memory_space<hbm>>
      %dma_start3A_935 = tpu.memref_slice %arg7[%dma_start3A_930] : memref<4x!tpu.dma_semaphore, #tpu.memory_space<semaphore_mem>> -> memref<1x!tpu.dma_semaphore, #tpu.memory_space<semaphore_mem>>
      %dma_start3A_936 = tpu.memref_squeeze %dma_start3A_935 : memref<1x!tpu.dma_semaphore, #tpu.memory_space<semaphore_mem>> -> memref<!tpu.dma_semaphore, #tpu.memory_space<semaphore_mem>>
      %dma_start3A_937 = arith.constant 0 : i32
      %dma_start3A_938 = tpu.memref_slice %arg5[%dma_start3A_929, %dma_start3A_937] : memref<4x800xi32, #tpu.memory_space<vmem>> -> memref<1x800xi32, #tpu.memory_space<vmem>>
      %dma_start3A_939 = tpu.memref_squeeze %dma_start3A_938 : memref<1x800xi32, #tpu.memory_space<vmem>> -> memref<800xi32, #tpu.memory_space<vmem>>
      %dma_start3A_940 = tpu.memref_slice %arg2[%add3A_928] : memref<819200xi32, #tpu.memory_space<hbm>> -> memref<800xi32, #tpu.memory_space<hbm>>
      tpu.enqueue_dma source(%dma_start3A_940 : memref<800xi32, #tpu.memory_space<hbm>>) target(%dma_start3A_939 : memref<800xi32, #tpu.memory_space<vmem>>) target_semaphore(%dma_start3A_936 : memref<!tpu.dma_semaphore, #tpu.memory_space<semaphore_mem>>)
    }
    %scan3A_310 = arith.constant 7 : i32
    %dma_wait3A_311 = arith.constant 2 : i32
    %dma_wait3A_312 = arith.constant 2 : i32
    %dma_wait3A_313 = arith.constant 2 : i32
    %dma_wait3A_314 = arith.constant 0 : i32
    %dma_wait3A_315 = arith.constant 0 : i32
    %dma_wait3A_316 = tpu.memref_slice %arg6[%dma_wait3A_312, %dma_wait3A_314, %dma_wait3A_315] : memref<4x800x32xf32, #tpu.memory_space<vmem>> -> memref<1x800x32xf32, #tpu.memory_space<vmem>>
    %dma_wait3A_317 = tpu.memref_squeeze %dma_wait3A_316 : memref<1x800x32xf32, #tpu.memory_space<vmem>> -> memref<800x32xf32, #tpu.memory_space<vmem>>
    %dma_wait3A_318 = arith.constant 0 : i32
    %dma_wait3A_319 = tpu.memref_slice %arg5[%dma_wait3A_311, %dma_wait3A_318] : memref<4x800xi32, #tpu.memory_space<vmem>> -> memref<1x800xi32, #tpu.memory_space<vmem>>
    %dma_wait3A_320 = tpu.memref_squeeze %dma_wait3A_319 : memref<1x800xi32, #tpu.memory_space<vmem>> -> memref<800xi32, #tpu.memory_space<vmem>>
    %dma_wait3A_321 = arith.constant 0 : i32
    %dma_wait3A_322 = arith.constant 0 : i32
    %dma_wait3A_323 = tpu.memref_slice %arg3[%dma_wait3A_321, %dma_wait3A_322] : memref<1000000x32xf32, #tpu.memory_space<hbm>> -> memref<1000000x32xf32, #tpu.memory_space<hbm>>
    %dma_wait3A_324 = tpu.memref_slice %arg8[%dma_wait3A_313] : memref<4x!tpu.dma_semaphore, #tpu.memory_space<semaphore_mem>> -> memref<1x!tpu.dma_semaphore, #tpu.memory_space<semaphore_mem>>
    %dma_wait3A_325 = tpu.memref_squeeze %dma_wait3A_324 : memref<1x!tpu.dma_semaphore, #tpu.memory_space<semaphore_mem>> -> memref<!tpu.dma_semaphore, #tpu.memory_space<semaphore_mem>>
    tpu.wait_indirect_dma semaphore(%dma_wait3A_325 : memref<!tpu.dma_semaphore, #tpu.memory_space<semaphore_mem>>) src(%dma_wait3A_323 : memref<1000000x32xf32, #tpu.memory_space<hbm>>) dst(%dma_wait3A_317 : memref<800x32xf32, #tpu.memory_space<vmem>>)
    %add3A_326 = arith.constant 24000 : i32
    %add3A_327 = arith.addi %mul3A_2, %add3A_326 : i32
    %dma_start3A_328 = arith.constant 2 : i32
    %dma_start3A_329 = arith.constant 2 : i32
    %dma_start3A_330 = arith.constant 0 : i32
    %dma_start3A_331 = arith.constant 0 : i32
    %dma_start3A_332 = tpu.memref_slice %arg6[%dma_start3A_328, %dma_start3A_330, %dma_start3A_331] : memref<4x800x32xf32, #tpu.memory_space<vmem>> -> memref<1x800x32xf32, #tpu.memory_space<vmem>>
    %dma_start3A_333 = tpu.memref_squeeze %dma_start3A_332 : memref<1x800x32xf32, #tpu.memory_space<vmem>> -> memref<800x32xf32, #tpu.memory_space<vmem>>
    %dma_start3A_334 = arith.constant 0 : i32
    %dma_start3A_335 = tpu.memref_slice %arg4[%add3A_327, %dma_start3A_334] : memref<819200x32xf32, #tpu.memory_space<hbm>> -> memref<800x32xf32, #tpu.memory_space<hbm>>
    %dma_start3A_336 = tpu.memref_slice %arg9[%dma_start3A_329] : memref<4x!tpu.dma_semaphore, #tpu.memory_space<semaphore_mem>> -> memref<1x!tpu.dma_semaphore, #tpu.memory_space<semaphore_mem>>
    %dma_start3A_337 = tpu.memref_squeeze %dma_start3A_336 : memref<1x!tpu.dma_semaphore, #tpu.memory_space<semaphore_mem>> -> memref<!tpu.dma_semaphore, #tpu.memory_space<semaphore_mem>>
    %dma_start3A_338 = arith.constant 0 : i32
    %dma_start3A_339 = tpu.memref_slice %arg4[%add3A_327, %dma_start3A_338] : memref<819200x32xf32, #tpu.memory_space<hbm>> -> memref<800x32xf32, #tpu.memory_space<hbm>>
    %dma_start3A_340 = arith.constant 0 : i32
    %dma_start3A_341 = arith.constant 0 : i32
    %dma_start3A_342 = tpu.memref_slice %arg6[%dma_start3A_328, %dma_start3A_340, %dma_start3A_341] : memref<4x800x32xf32, #tpu.memory_space<vmem>> -> memref<1x800x32xf32, #tpu.memory_space<vmem>>
    %dma_start3A_343 = tpu.memref_squeeze %dma_start3A_342 : memref<1x800x32xf32, #tpu.memory_space<vmem>> -> memref<800x32xf32, #tpu.memory_space<vmem>>
    tpu.enqueue_dma source(%dma_start3A_343 : memref<800x32xf32, #tpu.memory_space<vmem>>) target(%dma_start3A_339 : memref<800x32xf32, #tpu.memory_space<hbm>>) target_semaphore(%dma_start3A_337 : memref<!tpu.dma_semaphore, #tpu.memory_space<semaphore_mem>>)
    %dma_wait3A_344 = arith.constant 3 : i32
    %dma_wait3A_345 = arith.constant 3 : i32
    %dma_wait3A_346 = arith.constant 3 : i32
    %dma_wait3A_347 = arith.constant 0 : i32
    %dma_wait3A_348 = arith.constant 0 : i32
    %dma_wait3A_349 = tpu.memref_slice %arg6[%dma_wait3A_345, %dma_wait3A_347, %dma_wait3A_348] : memref<4x800x32xf32, #tpu.memory_space<vmem>> -> memref<1x800x32xf32, #tpu.memory_space<vmem>>
    %dma_wait3A_350 = tpu.memref_squeeze %dma_wait3A_349 : memref<1x800x32xf32, #tpu.memory_space<vmem>> -> memref<800x32xf32, #tpu.memory_space<vmem>>
    %dma_wait3A_351 = arith.constant 0 : i32
    %dma_wait3A_352 = tpu.memref_slice %arg5[%dma_wait3A_344, %dma_wait3A_351] : memref<4x800xi32, #tpu.memory_space<vmem>> -> memref<1x800xi32, #tpu.memory_space<vmem>>
    %dma_wait3A_353 = tpu.memref_squeeze %dma_wait3A_352 : memref<1x800xi32, #tpu.memory_space<vmem>> -> memref<800xi32, #tpu.memory_space<vmem>>
    %dma_wait3A_354 = arith.constant 0 : i32
    %dma_wait3A_355 = arith.constant 0 : i32
    %dma_wait3A_356 = tpu.memref_slice %arg3[%dma_wait3A_354, %dma_wait3A_355] : memref<1000000x32xf32, #tpu.memory_space<hbm>> -> memref<1000000x32xf32, #tpu.memory_space<hbm>>
    %dma_wait3A_357 = tpu.memref_slice %arg8[%dma_wait3A_346] : memref<4x!tpu.dma_semaphore, #tpu.memory_space<semaphore_mem>> -> memref<1x!tpu.dma_semaphore, #tpu.memory_space<semaphore_mem>>
    %dma_wait3A_358 = tpu.memref_squeeze %dma_wait3A_357 : memref<1x!tpu.dma_semaphore, #tpu.memory_space<semaphore_mem>> -> memref<!tpu.dma_semaphore, #tpu.memory_space<semaphore_mem>>
    tpu.wait_indirect_dma semaphore(%dma_wait3A_358 : memref<!tpu.dma_semaphore, #tpu.memory_space<semaphore_mem>>) src(%dma_wait3A_356 : memref<1000000x32xf32, #tpu.memory_space<hbm>>) dst(%dma_wait3A_350 : memref<800x32xf32, #tpu.memory_space<vmem>>)
    %add3A_359 = arith.constant 24800 : i32
    %add3A_360 = arith.addi %mul3A_2, %add3A_359 : i32
    %dma_start3A_361 = arith.constant 3 : i32
    %dma_start3A_362 = arith.constant 3 : i32
    %dma_start3A_363 = arith.constant 0 : i32
    %dma_start3A_364 = arith.constant 0 : i32
    %dma_start3A_365 = tpu.memref_slice %arg6[%dma_start3A_361, %dma_start3A_363, %dma_start3A_364] : memref<4x800x32xf32, #tpu.memory_space<vmem>> -> memref<1x800x32xf32, #tpu.memory_space<vmem>>
    %dma_start3A_366 = tpu.memref_squeeze %dma_start3A_365 : memref<1x800x32xf32, #tpu.memory_space<vmem>> -> memref<800x32xf32, #tpu.memory_space<vmem>>
    %dma_start3A_367 = arith.constant 0 : i32
    %dma_start3A_368 = tpu.memref_slice %arg4[%add3A_360, %dma_start3A_367] : memref<819200x32xf32, #tpu.memory_space<hbm>> -> memref<800x32xf32, #tpu.memory_space<hbm>>
    %dma_start3A_369 = tpu.memref_slice %arg9[%dma_start3A_362] : memref<4x!tpu.dma_semaphore, #tpu.memory_space<semaphore_mem>> -> memref<1x!tpu.dma_semaphore, #tpu.memory_space<semaphore_mem>>
    %dma_start3A_370 = tpu.memref_squeeze %dma_start3A_369 : memref<1x!tpu.dma_semaphore, #tpu.memory_space<semaphore_mem>> -> memref<!tpu.dma_semaphore, #tpu.memory_space<semaphore_mem>>
    %dma_start3A_371 = arith.constant 0 : i32
    %dma_start3A_372 = tpu.memref_slice %arg4[%add3A_360, %dma_start3A_371] : memref<819200x32xf32, #tpu.memory_space<hbm>> -> memref<800x32xf32, #tpu.memory_space<hbm>>
    %dma_start3A_373 = arith.constant 0 : i32
    %dma_start3A_374 = arith.constant 0 : i32
    %dma_start3A_375 = tpu.memref_slice %arg6[%dma_start3A_361, %dma_start3A_373, %dma_start3A_374] : memref<4x800x32xf32, #tpu.memory_space<vmem>> -> memref<1x800x32xf32, #tpu.memory_space<vmem>>
    %dma_start3A_376 = tpu.memref_squeeze %dma_start3A_375 : memref<1x800x32xf32, #tpu.memory_space<vmem>> -> memref<800x32xf32, #tpu.memory_space<vmem>>
    tpu.enqueue_dma source(%dma_start3A_376 : memref<800x32xf32, #tpu.memory_space<vmem>>) target(%dma_start3A_372 : memref<800x32xf32, #tpu.memory_space<hbm>>) target_semaphore(%dma_start3A_370 : memref<!tpu.dma_semaphore, #tpu.memory_space<semaphore_mem>>)
    %add3A_377 = arith.constant 22400 : i32
    %add3A_378 = arith.addi %mul3A_2, %add3A_377 : i32
    %dma_wait3A_379 = arith.constant 0 : i32
    %dma_wait3A_380 = arith.constant 0 : i32
    %dma_wait3A_381 = arith.constant 0 : i32
    %dma_wait3A_382 = arith.constant 0 : i32
    %dma_wait3A_383 = tpu.memref_slice %arg6[%dma_wait3A_379, %dma_wait3A_381, %dma_wait3A_382] : memref<4x800x32xf32, #tpu.memory_space<vmem>> -> memref<1x800x32xf32, #tpu.memory_space<vmem>>
    %dma_wait3A_384 = tpu.memref_squeeze %dma_wait3A_383 : memref<1x800x32xf32, #tpu.memory_space<vmem>> -> memref<800x32xf32, #tpu.memory_space<vmem>>
    %dma_wait3A_385 = arith.constant 0 : i32
    %dma_wait3A_386 = tpu.memref_slice %arg4[%add3A_378, %dma_wait3A_385] : memref<819200x32xf32, #tpu.memory_space<hbm>> -> memref<800x32xf32, #tpu.memory_space<hbm>>
    %dma_wait3A_387 = tpu.memref_slice %arg9[%dma_wait3A_380] : memref<4x!tpu.dma_semaphore, #tpu.memory_space<semaphore_mem>> -> memref<1x!tpu.dma_semaphore, #tpu.memory_space<semaphore_mem>>
    %dma_wait3A_388 = tpu.memref_squeeze %dma_wait3A_387 : memref<1x!tpu.dma_semaphore, #tpu.memory_space<semaphore_mem>> -> memref<!tpu.dma_semaphore, #tpu.memory_space<semaphore_mem>>
    %dma_wait3A_389 = arith.constant 0 : i32
    %dma_wait3A_390 = tpu.memref_slice %arg4[%add3A_378, %dma_wait3A_389] : memref<819200x32xf32, #tpu.memory_space<hbm>> -> memref<800x32xf32, #tpu.memory_space<hbm>>
    %dma_wait3A_391 = arith.constant 0 : i32
    %dma_wait3A_392 = arith.constant 0 : i32
    %dma_wait3A_393 = tpu.memref_slice %arg6[%dma_wait3A_379, %dma_wait3A_391, %dma_wait3A_392] : memref<4x800x32xf32, #tpu.memory_space<vmem>> -> memref<1x800x32xf32, #tpu.memory_space<vmem>>
    %dma_wait3A_394 = tpu.memref_squeeze %dma_wait3A_393 : memref<1x800x32xf32, #tpu.memory_space<vmem>> -> memref<800x32xf32, #tpu.memory_space<vmem>>
    tpu.wait_dma2 semaphore(%dma_wait3A_388 : memref<!tpu.dma_semaphore, #tpu.memory_space<semaphore_mem>>) src(%dma_wait3A_394 : memref<800x32xf32, #tpu.memory_space<vmem>>) dst(%dma_wait3A_390 : memref<800x32xf32, #tpu.memory_space<hbm>>)
    %add3A_395 = arith.constant 23200 : i32
    %add3A_396 = arith.addi %mul3A_2, %add3A_395 : i32
    %dma_wait3A_397 = arith.constant 1 : i32
    %dma_wait3A_398 = arith.constant 1 : i32
    %dma_wait3A_399 = arith.constant 0 : i32
    %dma_wait3A_400 = arith.constant 0 : i32
    %dma_wait3A_401 = tpu.memref_slice %arg6[%dma_wait3A_397, %dma_wait3A_399, %dma_wait3A_400] : memref<4x800x32xf32, #tpu.memory_space<vmem>> -> memref<1x800x32xf32, #tpu.memory_space<vmem>>
    %dma_wait3A_402 = tpu.memref_squeeze %dma_wait3A_401 : memref<1x800x32xf32, #tpu.memory_space<vmem>> -> memref<800x32xf32, #tpu.memory_space<vmem>>
    %dma_wait3A_403 = arith.constant 0 : i32
    %dma_wait3A_404 = tpu.memref_slice %arg4[%add3A_396, %dma_wait3A_403] : memref<819200x32xf32, #tpu.memory_space<hbm>> -> memref<800x32xf32, #tpu.memory_space<hbm>>
    %dma_wait3A_405 = tpu.memref_slice %arg9[%dma_wait3A_398] : memref<4x!tpu.dma_semaphore, #tpu.memory_space<semaphore_mem>> -> memref<1x!tpu.dma_semaphore, #tpu.memory_space<semaphore_mem>>
    %dma_wait3A_406 = tpu.memref_squeeze %dma_wait3A_405 : memref<1x!tpu.dma_semaphore, #tpu.memory_space<semaphore_mem>> -> memref<!tpu.dma_semaphore, #tpu.memory_space<semaphore_mem>>
    %dma_wait3A_407 = arith.constant 0 : i32
    %dma_wait3A_408 = tpu.memref_slice %arg4[%add3A_396, %dma_wait3A_407] : memref<819200x32xf32, #tpu.memory_space<hbm>> -> memref<800x32xf32, #tpu.memory_space<hbm>>
    %dma_wait3A_409 = arith.constant 0 : i32
    %dma_wait3A_410 = arith.constant 0 : i32
    %dma_wait3A_411 = tpu.memref_slice %arg6[%dma_wait3A_397, %dma_wait3A_409, %dma_wait3A_410] : memref<4x800x32xf32, #tpu.memory_space<vmem>> -> memref<1x800x32xf32, #tpu.memory_space<vmem>>
    %dma_wait3A_412 = tpu.memref_squeeze %dma_wait3A_411 : memref<1x800x32xf32, #tpu.memory_space<vmem>> -> memref<800x32xf32, #tpu.memory_space<vmem>>
    tpu.wait_dma2 semaphore(%dma_wait3A_406 : memref<!tpu.dma_semaphore, #tpu.memory_space<semaphore_mem>>) src(%dma_wait3A_412 : memref<800x32xf32, #tpu.memory_space<vmem>>) dst(%dma_wait3A_408 : memref<800x32xf32, #tpu.memory_space<hbm>>)
    %add3A_413 = arith.constant 24000 : i32
    %add3A_414 = arith.addi %mul3A_2, %add3A_413 : i32
    %dma_wait3A_415 = arith.constant 2 : i32
    %dma_wait3A_416 = arith.constant 2 : i32
    %dma_wait3A_417 = arith.constant 0 : i32
    %dma_wait3A_418 = arith.constant 0 : i32
    %dma_wait3A_419 = tpu.memref_slice %arg6[%dma_wait3A_415, %dma_wait3A_417, %dma_wait3A_418] : memref<4x800x32xf32, #tpu.memory_space<vmem>> -> memref<1x800x32xf32, #tpu.memory_space<vmem>>
    %dma_wait3A_420 = tpu.memref_squeeze %dma_wait3A_419 : memref<1x800x32xf32, #tpu.memory_space<vmem>> -> memref<800x32xf32, #tpu.memory_space<vmem>>
    %dma_wait3A_421 = arith.constant 0 : i32
    %dma_wait3A_422 = tpu.memref_slice %arg4[%add3A_414, %dma_wait3A_421] : memref<819200x32xf32, #tpu.memory_space<hbm>> -> memref<800x32xf32, #tpu.memory_space<hbm>>
    %dma_wait3A_423 = tpu.memref_slice %arg9[%dma_wait3A_416] : memref<4x!tpu.dma_semaphore, #tpu.memory_space<semaphore_mem>> -> memref<1x!tpu.dma_semaphore, #tpu.memory_space<semaphore_mem>>
    %dma_wait3A_424 = tpu.memref_squeeze %dma_wait3A_423 : memref<1x!tpu.dma_semaphore, #tpu.memory_space<semaphore_mem>> -> memref<!tpu.dma_semaphore, #tpu.memory_space<semaphore_mem>>
    %dma_wait3A_425 = arith.constant 0 : i32
    %dma_wait3A_426 = tpu.memref_slice %arg4[%add3A_414, %dma_wait3A_425] : memref<819200x32xf32, #tpu.memory_space<hbm>> -> memref<800x32xf32, #tpu.memory_space<hbm>>
    %dma_wait3A_427 = arith.constant 0 : i32
    %dma_wait3A_428 = arith.constant 0 : i32
    %dma_wait3A_429 = tpu.memref_slice %arg6[%dma_wait3A_415, %dma_wait3A_427, %dma_wait3A_428] : memref<4x800x32xf32, #tpu.memory_space<vmem>> -> memref<1x800x32xf32, #tpu.memory_space<vmem>>
    %dma_wait3A_430 = tpu.memref_squeeze %dma_wait3A_429 : memref<1x800x32xf32, #tpu.memory_space<vmem>> -> memref<800x32xf32, #tpu.memory_space<vmem>>
    tpu.wait_dma2 semaphore(%dma_wait3A_424 : memref<!tpu.dma_semaphore, #tpu.memory_space<semaphore_mem>>) src(%dma_wait3A_430 : memref<800x32xf32, #tpu.memory_space<vmem>>) dst(%dma_wait3A_426 : memref<800x32xf32, #tpu.memory_space<hbm>>)
    %add3A_431 = arith.constant 24800 : i32
    %add3A_432 = arith.addi %mul3A_2, %add3A_431 : i32
    %dma_wait3A_433 = arith.constant 3 : i32
    %dma_wait3A_434 = arith.constant 3 : i32
    %dma_wait3A_435 = arith.constant 0 : i32
    %dma_wait3A_436 = arith.constant 0 : i32
    %dma_wait3A_437 = tpu.memref_slice %arg6[%dma_wait3A_433, %dma_wait3A_435, %dma_wait3A_436] : memref<4x800x32xf32, #tpu.memory_space<vmem>> -> memref<1x800x32xf32, #tpu.memory_space<vmem>>
    %dma_wait3A_438 = tpu.memref_squeeze %dma_wait3A_437 : memref<1x800x32xf32, #tpu.memory_space<vmem>> -> memref<800x32xf32, #tpu.memory_space<vmem>>
    %dma_wait3A_439 = arith.constant 0 : i32
    %dma_wait3A_440 = tpu.memref_slice %arg4[%add3A_432, %dma_wait3A_439] : memref<819200x32xf32, #tpu.memory_space<hbm>> -> memref<800x32xf32, #tpu.memory_space<hbm>>
    %dma_wait3A_441 = tpu.memref_slice %arg9[%dma_wait3A_434] : memref<4x!tpu.dma_semaphore, #tpu.memory_space<semaphore_mem>> -> memref<1x!tpu.dma_semaphore, #tpu.memory_space<semaphore_mem>>
    %dma_wait3A_442 = tpu.memref_squeeze %dma_wait3A_441 : memref<1x!tpu.dma_semaphore, #tpu.memory_space<semaphore_mem>> -> memref<!tpu.dma_semaphore, #tpu.memory_space<semaphore_mem>>
    %dma_wait3A_443 = arith.constant 0 : i32
    %dma_wait3A_444 = tpu.memref_slice %arg4[%add3A_432, %dma_wait3A_443] : memref<819200x32xf32, #tpu.memory_space<hbm>> -> memref<800x32xf32, #tpu.memory_space<hbm>>
    %dma_wait3A_445 = arith.constant 0 : i32
    %dma_wait3A_446 = arith.constant 0 : i32
    %dma_wait3A_447 = tpu.memref_slice %arg6[%dma_wait3A_433, %dma_wait3A_445, %dma_wait3A_446] : memref<4x800x32xf32, #tpu.memory_space<vmem>> -> memref<1x800x32xf32, #tpu.memory_space<vmem>>
    %dma_wait3A_448 = tpu.memref_squeeze %dma_wait3A_447 : memref<1x800x32xf32, #tpu.memory_space<vmem>> -> memref<800x32xf32, #tpu.memory_space<vmem>>
    tpu.wait_dma2 semaphore(%dma_wait3A_442 : memref<!tpu.dma_semaphore, #tpu.memory_space<semaphore_mem>>) src(%dma_wait3A_448 : memref<800x32xf32, #tpu.memory_space<vmem>>) dst(%dma_wait3A_444 : memref<800x32xf32, #tpu.memory_space<hbm>>)
    %rem3A_449 = arith.constant 0 : i32
    %rem3A_450 = arith.constant 32 : i32
    %rem3A_451 = arith.remsi %rem3A_449, %rem3A_450 : i32
    %mul3A_452 = arith.constant 800 : i32
    %mul3A_453 = arith.muli %rem3A_451, %mul3A_452 : i32
    %add3A_454 = arith.addi %mul3A_2, %mul3A_453 : i32
    %dma_wait3A_455 = arith.constant 0 : i32
    %dma_wait3A_456 = arith.constant 0 : i32
    %dma_wait3A_457 = arith.constant 0 : i32
    %dma_wait3A_458 = tpu.memref_slice %arg5[%dma_wait3A_455, %dma_wait3A_457] : memref<4x800xi32, #tpu.memory_space<vmem>> -> memref<1x800xi32, #tpu.memory_space<vmem>>
    %dma_wait3A_459 = tpu.memref_squeeze %dma_wait3A_458 : memref<1x800xi32, #tpu.memory_space<vmem>> -> memref<800xi32, #tpu.memory_space<vmem>>
    %dma_wait3A_460 = tpu.memref_slice %arg2[%add3A_454] : memref<819200xi32, #tpu.memory_space<hbm>> -> memref<800xi32, #tpu.memory_space<hbm>>
    %dma_wait3A_461 = tpu.memref_slice %arg7[%dma_wait3A_456] : memref<4x!tpu.dma_semaphore, #tpu.memory_space<semaphore_mem>> -> memref<1x!tpu.dma_semaphore, #tpu.memory_space<semaphore_mem>>
    %dma_wait3A_462 = tpu.memref_squeeze %dma_wait3A_461 : memref<1x!tpu.dma_semaphore, #tpu.memory_space<semaphore_mem>> -> memref<!tpu.dma_semaphore, #tpu.memory_space<semaphore_mem>>
    %dma_wait3A_463 = arith.constant 0 : i32
    %dma_wait3A_464 = tpu.memref_slice %arg5[%dma_wait3A_455, %dma_wait3A_463] : memref<4x800xi32, #tpu.memory_space<vmem>> -> memref<1x800xi32, #tpu.memory_space<vmem>>
    %dma_wait3A_465 = tpu.memref_squeeze %dma_wait3A_464 : memref<1x800xi32, #tpu.memory_space<vmem>> -> memref<800xi32, #tpu.memory_space<vmem>>
    %dma_wait3A_466 = tpu.memref_slice %arg2[%add3A_454] : memref<819200xi32, #tpu.memory_space<hbm>> -> memref<800xi32, #tpu.memory_space<hbm>>
    tpu.wait_dma2 semaphore(%dma_wait3A_462 : memref<!tpu.dma_semaphore, #tpu.memory_space<semaphore_mem>>) src(%dma_wait3A_466 : memref<800xi32, #tpu.memory_space<hbm>>) dst(%dma_wait3A_465 : memref<800xi32, #tpu.memory_space<vmem>>)
    %rem3A_467 = arith.constant 1 : i32
    %rem3A_468 = arith.constant 32 : i32
    %rem3A_469 = arith.remsi %rem3A_467, %rem3A_468 : i32
    %mul3A_470 = arith.constant 800 : i32
    %mul3A_471 = arith.muli %rem3A_469, %mul3A_470 : i32
    %add3A_472 = arith.addi %mul3A_2, %mul3A_471 : i32
    %dma_wait3A_473 = arith.constant 1 : i32
    %dma_wait3A_474 = arith.constant 1 : i32
    %dma_wait3A_475 = arith.constant 0 : i32
    %dma_wait3A_476 = tpu.memref_slice %arg5[%dma_wait3A_473, %dma_wait3A_475] : memref<4x800xi32, #tpu.memory_space<vmem>> -> memref<1x800xi32, #tpu.memory_space<vmem>>
    %dma_wait3A_477 = tpu.memref_squeeze %dma_wait3A_476 : memref<1x800xi32, #tpu.memory_space<vmem>> -> memref<800xi32, #tpu.memory_space<vmem>>
    %dma_wait3A_478 = tpu.memref_slice %arg2[%add3A_472] : memref<819200xi32, #tpu.memory_space<hbm>> -> memref<800xi32, #tpu.memory_space<hbm>>
    %dma_wait3A_479 = tpu.memref_slice %arg7[%dma_wait3A_474] : memref<4x!tpu.dma_semaphore, #tpu.memory_space<semaphore_mem>> -> memref<1x!tpu.dma_semaphore, #tpu.memory_space<semaphore_mem>>
    %dma_wait3A_480 = tpu.memref_squeeze %dma_wait3A_479 : memref<1x!tpu.dma_semaphore, #tpu.memory_space<semaphore_mem>> -> memref<!tpu.dma_semaphore, #tpu.memory_space<semaphore_mem>>
    %dma_wait3A_481 = arith.constant 0 : i32
    %dma_wait3A_482 = tpu.memref_slice %arg5[%dma_wait3A_473, %dma_wait3A_481] : memref<4x800xi32, #tpu.memory_space<vmem>> -> memref<1x800xi32, #tpu.memory_space<vmem>>
    %dma_wait3A_483 = tpu.memref_squeeze %dma_wait3A_482 : memref<1x800xi32, #tpu.memory_space<vmem>> -> memref<800xi32, #tpu.memory_space<vmem>>
    %dma_wait3A_484 = tpu.memref_slice %arg2[%add3A_472] : memref<819200xi32, #tpu.memory_space<hbm>> -> memref<800xi32, #tpu.memory_space<hbm>>
    tpu.wait_dma2 semaphore(%dma_wait3A_480 : memref<!tpu.dma_semaphore, #tpu.memory_space<semaphore_mem>>) src(%dma_wait3A_484 : memref<800xi32, #tpu.memory_space<hbm>>) dst(%dma_wait3A_483 : memref<800xi32, #tpu.memory_space<vmem>>)
    return
  }
}

</mosaic_0001>

<sc_bundles>
// kernel: kernel.3.cloned.1.call-start
scs
__scs_entry_jumppad:
0x0: {  	(pc) =	sbr.rel $0x88, $3  }
0x1: {  	(tag) =	ssettag $0x0;
	lr =	simm.s32 $0x1  }
0x2: {  	[smem:$0x3F9F] =	sst lr;
	_ =	strace $0xD0000000  }
0x3: {  	_ = 	snop  }
0x4: {  	_ = 	snop  }
0x5: {  	_ = 	snop  }
0x6: {  	_ = 	snop  }
0x7: {  	_ = 	snop  }
__scs_overlays_trampoline_lowered:
0x8: {  	[smem:$0x3FAE] =	sst s0  }
0x9: {  	[smem:$0x3FAF] =	sst s1  }
0xa: {  	[smem:$0x3FB0] =	sst s2  }
0xb: {  	[smem:$0x3FB1] =	sst s3  }
0xc: {  	[smem:$0x3FB2] =	sst s4  }
0xd: {  	[smem:$0x3FB3] =	sst s5  }
0xe: {  	[smem:$0x3FB4] =	sst s6  }
0xf: {  	[smem:$0x3FB5] =	sst s7  }
0x10: {  	[smem:$0x3FB6] =	sst s8  }
0x11: {  	[smem:$0x3FB7] =	sst s9;
	s0 =	simm.s32 @!p0 $0x0  }
0x12: {  	s1 =	sld [smem:$0x3F9D];
	s0 =	simm.s32 @p0 $0x1  }
0x13: {  	[smem:$0x3FB8] =	sst s0;
	s0 =	simm.s32 @!p1 $0x0  }
0x14: {  	s2 =	sld [smem:$0x3F9C];
	s0 =	simm.s32 @p1 $0x1  }
0x15: {  	[smem:$0x3FB9] =	sst s0;
	s0 =	simm.s32 @!p2 $0x0  }
0x16: {  	s3 =	sld [smem:$0x3FDB];
	s0 =	simm.s32 @p2 $0x1  }
0x17: {  	s4 =	simm.s32 $0x1BF5;
	[smem:$0x3FBB] =	sst s0  }
0x18: {  	s0 =	sld [smem:$0x3F9E];
	_ =	swait.ge [sflag:s4], $0x0  }
0x19: {  	s7 =	sld [smem:$0x3F9F]  }
0x1a: {  	s8 =	sadd.s32 $0xFFFFE003, lr  }
0x1b: {  	s9 =	sadd.s32 $0xFFFFFEF7, lr;
	s5 =	simm.s32 $0xFFFFFFFF;
	p2 =	slt.u32 s8, $0xFFFFF086  }
0x1c: {  	p1 =	slt.u32 s9, $0xF7A;
	s5 =	simm.s32 @!p2 $0x0  }
0x1d: {  	s5 =	simm.s32 @p1 $0x1;
	p0 =	seq.s32 s7, s2  }
0x1e: {  	s7 =	smul.u32 @!p0 $0xF7A, s2;
	p2 =	seq.s32 @!p0 s5, $0x0  }
0x1f: {  	s9 =	smul.u32 $0xF7A, s1;
	s8 =	simm.s32 @!p0 $0x1BF5;
	p2 =	por !p2, p0  }
0x20: {  	[sflag:s8] =	ssyncset.s32 @!p0 $0xFFFFF086;
	s6 =	sadd.s32 @!p0 s3, s7;
	s7 =	simm.s32 @!p0 $0x108  }
0x21: {  	s3 =	sadd.s32 s3, s9;
	s6 =	sadd.s32 @!p0 $0x88, s6;
	s7 =	simm.s32 @p2 $0x1082  }
0x22: {  	[simem:s7], [sflag:s8] =	dma.local @!p0 [hbm:s6], $0xF7A  }
0x23: {  	s9 =	sor.u32 $0xD0000000, s2;
	s6 =	simm.s32 $0x108;
	_ =	swait.ge @!p0 [sflag:s8], $0x0  }
0x24: {  	s3 =	sadd.s32 $0x88, s3;
	s6 =	simm.s32 @!p1 $0x1082;
	[sflag:s4] =	ssyncset.s32 $0xFFFFF086  }
0x25: {  	[simem:s6], [sflag:s4] =	dma.local [hbm:s3], $0xF7A  }
0x26: {  	[smem:$0x3F9F] =	sst s1;
	(tag) =	ssettag s2;
	_ =	strace s9  }
0x27: {  	s1 =	sld [smem:$0x3FAF]  }
0x28: {  	s2 =	sld [smem:$0x3FB0]  }
0x29: {  	s4 =	sld [smem:$0x3FB2]  }
0x2a: {  	p0 =	seq.s32 s5, $0x0;
	s5 =	sld [smem:$0x3FB3]  }
0x2b: {  	s6 =	sld [smem:$0x3FB4]  }
0x2c: {  	s7 =	sld [smem:$0x3FB5]  }
0x2d: {  	s3 =	simm.s32 $0x108;
	s8 =	sld [smem:$0x3FB6]  }
0x2e: {  	s3 =	simm.s32 @!p0 $0x1082;
	s9 =	sld [smem:$0x3FB7]  }
0x2f: {  	lr =	sadd.s32 s0, s3;
	s0 =	sld [smem:$0x3FAE]  }
0x30: {  	s3 =	sld [smem:$0x3FB1]  }
0x31: {  	[smem:$0x3FBA] =	sst s10  }
0x32: {  	s10 =	sld [smem:$0x3FB8];
	_ =	sdelay $0x3  }
0x33: {  	p0 =	seq.s32 s10, $0x1;
	s10 =	sld [smem:$0x3FBA];
	_ =	sdelay $0x3  }
0x34: {  	[smem:$0x3FBA] =	sst s10  }
0x35: {  	s10 =	sld [smem:$0x3FB9];
	_ =	sdelay $0x3  }
0x36: {  	p1 =	seq.s32 s10, $0x1;
	s10 =	sld [smem:$0x3FBA];
	_ =	sdelay $0x3  }
0x37: {  	[smem:$0x3FBA] =	sst s10  }
0x38: {  	s10 =	sld [smem:$0x3FBB]  }
0x39: {  	_ = 	snop;
	(pc) =	sbr.ind lr, $3  }
0x3a: {  	_ = 	snop  }
0x3b: {  	_ = 	snop  }
0x3c: {  	p2 =	seq.s32 s10, $0x1;
	s10 =	sld [smem:$0x3FBA]  }
0x3d: {  	_ =	shalt  }
0x3e: {  	_ =	shalt  }
0x3f: {  	_ =	shalt  }
0x40: {  	_ =	shalt  }
0x41: {  	_ =	shalt  }
0x42: {  	_ =	shalt  }
0x43: {  	_ =	shalt  }
0x44: {  	_ =	shalt  }
0x45: {  	_ =	shalt  }
0x46: {  	_ =	shalt  }
0x47: {  	_ =	shalt  }
0x48: {  	_ =	shalt  }
0x49: {  	_ =	shalt  }
0x4a: {  	_ =	shalt  }
0x4b: {  	_ =	shalt  }
0x4c: {  	_ =	shalt  }
0x4d: {  	_ =	shalt  }
0x4e: {  	_ =	shalt  }
0x4f: {  	_ =	shalt  }
0x50: {  	_ =	shalt  }
0x51: {  	_ =	shalt  }
0x52: {  	_ =	shalt  }
0x53: {  	_ =	shalt  }
0x54: {  	_ =	shalt  }
0x55: {  	_ =	shalt  }
0x56: {  	_ =	shalt  }
0x57: {  	_ =	shalt  }
0x58: {  	_ =	shalt  }
0x59: {  	_ =	shalt  }
0x5a: {  	_ =	shalt  }
0x5b: {  	_ =	shalt  }
0x5c: {  	_ =	shalt  }
0x5d: {  	_ =	shalt  }
0x5e: {  	_ =	shalt  }
0x5f: {  	_ =	shalt  }
0x60: {  	_ =	shalt  }
0x61: {  	_ =	shalt  }
0x62: {  	_ =	shalt  }
0x63: {  	_ =	shalt  }
0x64: {  	_ =	shalt  }
0x65: {  	_ =	shalt  }
0x66: {  	_ =	shalt  }
0x67: {  	_ =	shalt  }
0x68: {  	_ =	shalt  }
0x69: {  	_ =	shalt  }
0x6a: {  	_ =	shalt  }
0x6b: {  	_ =	shalt  }
0x6c: {  	_ =	shalt  }
0x6d: {  	_ =	shalt  }
0x6e: {  	_ =	shalt  }
0x6f: {  	_ =	shalt  }
0x70: {  	_ =	shalt  }
0x71: {  	_ =	shalt  }
0x72: {  	_ =	shalt  }
0x73: {  	_ =	shalt  }
0x74: {  	_ =	shalt  }
0x75: {  	_ =	shalt  }
0x76: {  	_ =	shalt  }
0x77: {  	_ =	shalt  }
0x78: {  	_ =	shalt  }
0x79: {  	_ =	shalt  }
0x7a: {  	_ =	shalt  }
0x7b: {  	_ =	shalt  }
0x7c: {  	_ =	shalt  }
0x7d: {  	_ =	shalt  }
0x7e: {  	_ =	shalt  }
0x7f: {  	_ =	shalt  }
0x80: {  	_ =	shalt  }
0x81: {  	_ =	shalt  }
0x82: {  	_ =	shalt  }
0x83: {  	_ =	shalt  }
0x84: {  	_ =	shalt  }
0x85: {  	_ =	shalt  }
0x86: {  	_ =	shalt  }
0x87: {  	_ =	shalt  }
.Lfunc_end0:
.L_simem_size_0:
called_computation.1_lowered:
.L_overlay_start_0:
0x88: {  	s2 =	sld [smem:$0x3FD9]  }
0x89: {  	s3 =	sld [smem:$0x3FFE];
	_ =	sdelay $0x1  }
0x8a: {  	s1 =	srdreg.scid  }
0x8b: {  	s0 =	sand.u32 $0x1, s1  }
0x8c: {  	s17 =	sshll.u32 s0, $0xA;
	s2 =	sadd.s32 s3, s2  }
0x8d: {  	s2 =	sadd.s32 s2, s17  }
0x8e: {  	[smem:$0x3FC6] =	sst s2  }
0x8f: {  	_ = 	snop  }
0x90: {  	s2 =	sld [smem:$0x3FD0];
	(tm) =	ssettm $0x1  }
0x91: {  	s18 =	sld [smem:$0x3FFB];
	_ =	sdelay $0x3  }
0x92: {  	_ =	strace s18  }
0x93: {  	s3 =	sld [smem:$0x3FFC];
	_ =	sdelay $0x3  }
0x94: {  	_ =	strace s3  }
0x95: {  	s3 =	sld [smem:$0x3FFD];
	_ =	sdelay $0x3  }
0x96: {  	_ =	strace s3  }
0x97: {  	_ =	strace $0x8FFFFFFF  }
0x98: {  	s19 =	sld [smem:$0x3FDB];
	_ =	sdelay $0x1  }
0x99: {  	s4 =	simm.s32 $_scs_section_size  }
0x9a: {  	s5 =	simm.s32 $_size__tile_overlayer_lowered;
	s6 =	simm.s32 $_tile_overlayer_lowered  }
0x9b: {  	s22 =	simm.s32 $0x1BFF;
	s21 =	sshll.u32 s6, $0x1;
	s3 =	sadd.s32 s4, s19  }
0x9c: {  	s7 =	simm.s32 $0x0;
	s20 =	sshll.u32 s5, $0x1;
	s5 =	sadd.s32 s21, s3  }
0x9d: {  	[timem:s7], [sflag:s22] =	dma.local [hbm:s5], s20  }
0x9e: {  	_ =	swait.ge [sflag:s22], s20  }
0x9f: {  	s4 =	ssub.s32 $0x0, s20;
	[sflag:s22] =	ssyncset.done $0x0  }
0xa0: {  	[sflag:s22] =	ssyncadd.s32 s4;
	_ =	sdelay $0x1  }
0xa1: {  	s23 =	simm.s32 $0x1B8B  }
0xa2: {  	_ =	swait.ge [sflag:s23], $0x1  }
0xa3: {  	[sflag:s23] =	ssyncset.done $0x0  }
0xa4: {  	s25 =	simm.s32 $0x1B8E;
	s24 =	sld [smem:$0x3FFE];
	[sflag:s23] =	ssyncadd.s32 $0xFFFFFFFF  }
0xa5: {  	s26 =	simm.s32 $execute0_lowered;
	[smem:$0x3FD2] =	sst s25  }
0xa6: {  	s5 =	sshll.u32 s26, $0x1;
	_ =	strace $0x80000046;
	[dreg:$0x1] =	wrdreg $0xFFFFFFFF  }
0xa7: {  	s28 =	simm.s32 $_size_execute0_lowered;
	s3 =	sadd.s32 s3, s5;
	[dreg:$0x0] =	wrdreg $0x0  }
0xa8: {  	s5 =	sshll.u32 s28, $0x1;
	[dreg:$0x2] =	wrdreg s3  }
0xa9: {  	[dreg:$0x3] =	wrdreg s5  }
0xaa: {  	[dreg:$0x4] =	wrdreg $0xC0  }
0xab: {  	_ =	task [dreg:s7], $0x5FFFF  }
0xac: {  	[dreg:$0x1] =	wrdreg $0xFFFFFFFF  }
0xad: {  	[dreg:$0x0] =	wrdreg $0x60  }
0xae: {  	[dreg:$0x2] =	wrdreg s24  }
0xaf: {  	[dreg:$0x3] =	wrdreg s2  }
0xb0: {  	[dreg:$0x4] =	wrdreg $0x9  }
0xb1: {  	_ =	task.clear_ibuf [dreg:s7], $0x5FFFF;
	_ =	strace $0x90000046  }
0xb2: {  	s29 =	simm.s32 $0x9;
	_ =	strace $0x80000048  }
0xb3: {  	_ =	swait.ge [sflag:s29], $0x1  }
0xb4: {  	[sflag:s29] =	ssyncadd.s32 $0xFFFFFFFF  }
0xb5: {  	_ =	strace $0x90000048  }
0xb6: {  	_ =	sfence  }
0xb7: {  	s30 =	sld [smem:$0x0];
	_ =	sdelay $0x2  }
0xb8: {  	s31 =	sshll.u32 s1, $0xD;
	s1 =	sshrl.u32 s1, $0x2  }
0xb9: {  	s3 =	sand.u32 $0x4000, s31;
	s1 =	sadd.s32 s1, s30  }
0xba: {  	s0 =	sor.u32 s3, s0;
	s1 =	sshll.u32 s1, $0x11  }
0xbb: {  	s0 =	sor.u32 s1, s0  }
0xbc: {  	s0 =	sadd.s32 $0x8F2B, s0  }
0xbd: {  	[sflag:s0] =	ssyncadd.remote.s32 $0x1  }
0xbe: {  	_ =	sfence.sel $0xFFFF  }
0xbf: {  	[dreg:$0x0] =	wrdreg $0xFFFFFFFF;
	(pc) =	sbr.abs _section_cstart, $3  }
0xc0: {  	[dreg:$0x1] =	wrdreg $0xFFFFFFFF  }
0xc1: {  	_ =	task.clear_ibuf [dreg:s7], $0x2FFFF;
	_ =	strace $0x9FFFFFFF  }
0xc2: {  	(tm) =	ssettm $0x7FFFFFFF  }
0xc3: {  	_ =	shalt  }
tec
execute0_lowered:
.L_overlay_start_1:
0x0: {  	(tag) =	ssettag $0x1  }
0x1: {  	s0 =	rddreg [dreg:$0x0]  }
0x2: {  	s1 =	rddreg [dreg:$0x1]  }
0x3: {  	s3 =	srdreg.scid;
	s12 =	stileid.u32  }
0x4: {  	s2 =	simm.s32 $0x0;
	s28 =	simm.s32 $0xD480;
	s29 =	simm.s32 $0x4  }
0x5: {  	s30 =	simm.s32 $0x13880;
	s31 =	simm.s32 $0x5;
	s6 =	sand.u32 $0x1, s3  }
0x6: {  	s22 =	sshll.u32 s12, $0x1;
	[smem:$0x7FF] =	sst s2;
	s26 =	smul.u32 $0xC800, s12  }
0x7: {  	s7 =	sor.u32 s6, s22;
	s8 =	ssub.s32 $0x2, s6;
	s6 =	smul.u32 $0x6400, s6  }
0x8: {  	s4 =	sadd.s32 $0xA00, s0;
	s5 =	sadd.s32 $0xF42E00, s0;
	s3 =	smul.u32 $0x6400, s7  }
0x9: {  	_ =	strace $0x80000047;
	s23 =	sshrl.u32 s8, $0x1;
	s9 =	smul.u32 $0x19000, s7  }
0xa: {  	s7 =	smul.u32 $0xC8000, s7;
	s0 =	ssub.s32 s8, s23;
	s6 =	sadd.s32 s6, s26  }
0xb: {  	s24 =	sor.u32 $0x320, s3;
	s10 =	sshrl.u32 s3, $0x3;
	s9 =	sadd.s32 s1, s9  }
0xc: {  	s7 =	sshrl.u32 s7, $0x3;
	s17 =	sshll.u32 s6, $0x2;
	s0 =	smax.u32 s0, $0x1  }
0xd: {  	s21 =	sadd.s32 $0x15E0, s6;
	s6 =	sadd.s32 $0x12C0, s6;
	s11 =	sshrl.u32 s24, $0x3  }
0xe: {  	s13 =	sadd.s32 s4, s10;
	[dreg:$0xb] =	wrdreg s9;
	s8 =	sshll.u32 s24, $0x2  }
0xf: {  	s7 =	sadd.s32 s1, s7;
	s19 =	sadd.s32 s1, s17;
	[dreg:$0x11] =	wrdreg s0  }
0x10: {  	s22 =	sshrl.u32 s21, $0x3;
	s25 =	sadd.s32 s4, s11;
	[dreg:$0x7] =	wrdreg s13  }
0x11: {  	s23 =	sadd.s32 $0x20002580, s17;
	s12 =	sadd.s32 $0xC8, s13;
	[dreg:$0x8] =	wrdreg s25  }
0x12: {  	s21 =	simm.s32 $0x960;
	s14 =	sadd.s32 $0x12C, s13;
	[dreg:$0x9] =	wrdreg s12  }
0x13: {  	s9 =	simm.s32 $0x8;
	s15 =	sadd.s32 $0x190, s13;
	[dreg:$0xa] =	wrdreg s14  }
0x14: {  	s10 =	simm.s32 $0xB;
	s8 =	sadd.s32 s1, s8;
	[dreg:$0xc] =	wrdreg s15  }
0x15: {  	s16 =	sadd.s32 $0x1F4, s13;
	s18 =	sadd.s32 $0x17700, s7;
	[dreg:$0xd] =	wrdreg s8  }
0x16: {  	s7 =	sadd.s32 $0x18380, s7;
	s20 =	sadd.s32 $0x3E80, s19;
	[dreg:$0xe] =	wrdreg s16  }
0x17: {  	s0 =	sadd.s32 s22, s4;
	s24 =	sand.u32 $0xFFF580, s23;
	[dreg:$0xf] =	wrdreg s18  }
0x18: {  	s26 =	sadd.s32 $0x3200, s19;
	s19 =	simm.s32 $0x320;
	[dreg:$0x10] =	wrdreg s7  }
0x19: {  	s22 =	simm.s32 $0x1;
	s23 =	simm.s32 $0xC80;
	[dreg:$0x3] =	wrdreg s20  }
0x1a: {  	s11 =	simm.s32 $0xC;
	[dreg:$0x12] =	wrdreg s0;
	s8 =	sadd.s32 $0x20001900, s17  }
0x1b: {  	s0 =	sadd.s32 s24, s1;
	s25 =	sshrl.u32 s6, $0x3;
	[dreg:$0x6] =	wrdreg s26  }
0x1c: {  	s20 =	simm.s32 $0x640;
	s24 =	simm.s32 $0x2;
	s26 =	simm.s32 $0x3  }
0x1d: {  	s7 =	simm.s32 $0x7;
	s12 =	simm.s32 $0x0;
	s8 =	sand.u32 $0xFFF900, s8  }
0x1e: {  	[dreg:$0x4] =	wrdreg s0;
	s0 =	sadd.s32 s25, s4;
	s25 =	simm.s32 $0x7080  }
0x1f: {  	s1 =	sadd.s32 s8, s1;
	[dreg:$0x13] =	wrdreg s0;
	s0 =	simm.s32 $0x6  }
0x20: {  	s8 =	simm.s32 $0xA;
	[dreg:$0x5] =	wrdreg s1;
	s1 =	simm.s32 $0x9  }
.LBB2_1:
0x21: {  	s6 =	rddreg [dreg:$0x7]  }
0x22: {  	[tilespmem:s2], [sflag:$0x1] =	stream.linear.gather [hbm4b:s6+s2], $0x320, $0x38;
	[tilespmem:$0x19C80] =	vst v63  }
0x23: {  	s13 =	rddreg [dreg:$0x8]  }
0x24: {  	[tilespmem:s19], [sflag:$0x2] =	stream.linear.gather [hbm4b:s13+s2], $0x320, $0x38;
	[tilespmem:$0x19C80] =	vst v63  }
0x25: {  	s14 =	rddreg [dreg:$0x9]  }
0x26: {  	[tilespmem:s20], [sflag:$0x3] =	stream.linear.gather [hbm4b:s14+s2], $0x320, $0x38;
	[tilespmem:$0x19C80] =	vst v63  }
0x27: {  	s15 =	rddreg [dreg:$0xa]  }
0x28: {  	[tilespmem:s21], [sflag:$0x4] =	stream.linear.gather [hbm4b:s15+s2], $0x320, $0x38;
	[tilespmem:$0x19C80] =	vst v63  }
0x29: {  	_ =	swait.ge [sflag:s22], $0x320  }
0x2a: {  	[sflag:s22] =	ssyncset.done $0x0  }
0x2b: {  	[sflag:s22] =	ssyncadd.s32 $0xFFFFFCE0  }
0x2c: {  	[tilespmem:s23], [sflag:$0x5] =	stream.indirect.gather [hbm4b:s5+s19], $0x20, s2, s19, $0xb8;
	[tilespmem:$0x19C80] =	vst v63  }
0x2d: {  	_ =	swait.ge [sflag:s24], $0x320  }
0x2e: {  	[sflag:s24] =	ssyncset.done $0x0  }
0x2f: {  	[sflag:s24] =	ssyncadd.s32 $0xFFFFFCE0  }
0x30: {  	[tilespmem:s25], [sflag:$0x6] =	stream.indirect.gather [hbm4b:s5+s19], $0x20, s19, s19, $0xb8;
	[tilespmem:$0x19C80] =	vst v63  }
0x31: {  	_ =	swait.ge [sflag:s26], $0x320  }
0x32: {  	[sflag:s26] =	ssyncset.done $0x0  }
0x33: {  	[sflag:s26] =	ssyncadd.s32 $0xFFFFFCE0  }
0x34: {  	[tilespmem:s28], [sflag:$0x7] =	stream.indirect.gather [hbm4b:s5+s19], $0x20, s20, s19, $0xb8;
	[tilespmem:$0x19C80] =	vst v63  }
0x35: {  	_ =	swait.ge [sflag:s29], $0x320  }
0x36: {  	[sflag:s29] =	ssyncset.done $0x0  }
0x37: {  	[sflag:s29] =	ssyncadd.s32 $0xFFFFFCE0  }
0x38: {  	[tilespmem:s30], [sflag:$0x8] =	stream.indirect.gather [hbm4b:s5+s19], $0x20, s21, s19, $0xb8;
	[tilespmem:$0x19C80] =	vst v63  }
0x39: {  	_ =	swait.ge [sflag:s31], $0x6400  }
0x3a: {  	[sflag:s31] =	ssyncset.done $0x0  }
0x3b: {  	s16 =	rddreg [dreg:$0xb];
	[sflag:s31] =	ssyncadd.s32 $0xFFFF9C00  }
0x3c: {  	[hbm4b:s16+s2] =	stream.linear.scatter [tilespmem:s23], [sflag:$0x9], $0x6400, $0x38;
	[tilespmem:$0x19C80] =	vst v63  }
0x3d: {  	s17 =	rddreg [dreg:$0xc]  }
0x3e: {  	[tilespmem:s2], [sflag:$0x1] =	stream.linear.gather [hbm4b:s17+s2], $0x320, $0x38;
	[tilespmem:$0x19C80] =	vst v63  }
0x3f: {  	_ =	swait.ge [sflag:s0], $0x6400  }
0x40: {  	[sflag:s0] =	ssyncset.done $0x0  }
0x41: {  	s18 =	rddreg [dreg:$0xd];
	[sflag:s0] =	ssyncadd.s32 $0xFFFF9C00  }
0x42: {  	[hbm4b:s18+s2] =	stream.linear.scatter [tilespmem:s25], [sflag:$0xA], $0x6400, $0x38;
	[tilespmem:$0x19C80] =	vst v63  }
0x43: {  	s13 =	rddreg [dreg:$0xe]  }
0x44: {  	[tilespmem:s19], [sflag:$0x2] =	stream.linear.gather [hbm4b:s13+s2], $0x320, $0x38;
	[tilespmem:$0x19C80] =	vst v63  }
0x45: {  	_ =	swait.ge [sflag:s1], $0x6400  }
0x46: {  	[sflag:s1] =	ssyncset.done $0x0  }
0x47: {  	[sflag:s1] =	ssyncadd.s32 $0xFFFF9C00  }
0x48: {  	_ =	swait.ge [sflag:s22], $0x320  }
0x49: {  	[sflag:s22] =	ssyncset.done $0x0  }
0x4a: {  	[sflag:s22] =	ssyncadd.s32 $0xFFFFFCE0  }
0x4b: {  	[tilespmem:s23], [sflag:$0x5] =	stream.indirect.gather [hbm4b:s5+s19], $0x20, s2, s19, $0xb8;
	[tilespmem:$0x19C80] =	vst v63  }
0x4c: {  	_ =	swait.ge [sflag:s7], $0x6400  }
0x4d: {  	s14 =	rddreg [dreg:$0x5];
	[sflag:s7] =	ssyncset.done $0x0  }
0x4e: {  	[sflag:s7] =	ssyncadd.s32 $0xFFFF9C00;
	s6 =	sadd.s32 $0x0, s14  }
0x4f: {  	[hbm4b:s6+s2] =	stream.linear.scatter [tilespmem:s28], [sflag:$0xB], $0x6400, $0x38;
	[tilespmem:$0x19C80] =	vst v63  }
0x50: {  	s18 =	rddreg [dreg:$0x13]  }
0x51: {  	[tilespmem:s20], [sflag:$0x3] =	stream.linear.gather [hbm4b:s18+s2], $0x320, $0x38;
	[tilespmem:$0x19C80] =	vst v63  }
0x52: {  	_ =	swait.ge [sflag:s8], $0x6400  }
0x53: {  	[sflag:s8] =	ssyncset.done $0x0  }
0x54: {  	[sflag:s8] =	ssyncadd.s32 $0xFFFF9C00  }
0x55: {  	_ =	swait.ge [sflag:s24], $0x320  }
0x56: {  	[sflag:s24] =	ssyncset.done $0x0  }
0x57: {  	[sflag:s24] =	ssyncadd.s32 $0xFFFFFCE0  }
0x58: {  	[tilespmem:s25], [sflag:$0x6] =	stream.indirect.gather [hbm4b:s5+s19], $0x20, s19, s19, $0xb8;
	[tilespmem:$0x19C80] =	vst v63  }
0x59: {  	_ =	swait.ge [sflag:s9], $0x6400  }
0x5a: {  	s15 =	rddreg [dreg:$0x4];
	[sflag:s9] =	ssyncset.done $0x0  }
0x5b: {  	[sflag:s9] =	ssyncadd.s32 $0xFFFF9C00;
	s6 =	sadd.s32 $0x0, s15  }
0x5c: {  	[hbm4b:s6+s2] =	stream.linear.scatter [tilespmem:s30], [sflag:$0xC], $0x6400, $0x38;
	[tilespmem:$0x19C80] =	vst v63  }
0x5d: {  	s17 =	rddreg [dreg:$0x12]  }
0x5e: {  	[tilespmem:s21], [sflag:$0x4] =	stream.linear.gather [hbm4b:s17+s2], $0x320, $0x38;
	[tilespmem:$0x19C80] =	vst v63  }
0x5f: {  	_ =	swait.ge [sflag:s10], $0x6400  }
0x60: {  	[sflag:s10] =	ssyncset.done $0x0  }
0x61: {  	[sflag:s10] =	ssyncadd.s32 $0xFFFF9C00  }
0x62: {  	s16 =	simm.s32 $0x8;
	_ =	swait.ge [sflag:s26], $0x320  }
0x63: {  	s6 =	sand.u32 $0x1C, s16;
	[sflag:s26] =	ssyncset.done $0x0  }
0x64: {  	s6 =	smul.u32 $0x320, s6;
	[sflag:s26] =	ssyncadd.s32 $0xFFFFFCE0  }
0x65: {  	[tilespmem:s28], [sflag:$0x7] =	stream.indirect.gather [hbm4b:s5+s19], $0x20, s20, s19, $0xb8;
	[tilespmem:$0x19C80] =	vst v63  }
0x66: {  	_ =	swait.ge [sflag:s31], $0x6400  }
0x67: {  	s6 =	sadd.s32 s3, s6;
	s13 =	rddreg [dreg:$0x6];
	[sflag:s31] =	ssyncset.done $0x0  }
0x68: {  	s6 =	sshrl.u32 s6, $0x3;
	[sflag:s31] =	ssyncadd.s32 $0xFFFF9C00;
	s13 =	sadd.s32 $0x0, s13  }
0x69: {  	[hbm4b:s13+s2] =	stream.linear.scatter [tilespmem:s23], [sflag:$0x9], $0x6400, $0x38;
	[tilespmem:$0x19C80] =	vst v63  }
0x6a: {  	s6 =	sadd.s32 s4, s6  }
0x6b: {  	[tilespmem:s2], [sflag:$0x1] =	stream.linear.gather [hbm4b:s6+s2], $0x320, $0x38;
	[tilespmem:$0x19C80] =	vst v63  }
0x6c: {  	_ =	swait.ge [sflag:s11], $0x6400  }
0x6d: {  	[sflag:s11] =	ssyncset.done $0x0  }
0x6e: {  	[sflag:s11] =	ssyncadd.s32 $0xFFFF9C00  }
0x6f: {  	_ =	swait.ge [sflag:s29], $0x320  }
0x70: {  	[sflag:s29] =	ssyncset.done $0x0  }
0x71: {  	s15 =	sand.u32 $0x1D, s1;
	[sflag:s29] =	ssyncadd.s32 $0xFFFFFCE0  }
0x72: {  	[tilespmem:s30], [sflag:$0x8] =	stream.indirect.gather [hbm4b:s5+s19], $0x20, s21, s19, $0xb8;
	[tilespmem:$0x19C80] =	vst v63  }
0x73: {  	s13 =	smul.u32 $0x320, s15;
	_ =	swait.ge [sflag:s0], $0x6400  }
0x74: {  	s14 =	rddreg [dreg:$0x3];
	[sflag:s0] =	ssyncset.done $0x0  }
0x75: {  	s16 =	sadd.s32 s3, s13;
	[sflag:s0] =	ssyncadd.s32 $0xFFFF9C00;
	s6 =	sadd.s32 $0x0, s14  }
0x76: {  	[hbm4b:s6+s2] =	stream.linear.scatter [tilespmem:s25], [sflag:$0xA], $0x6400, $0x38;
	[tilespmem:$0x19C80] =	vst v63  }
0x77: {  	s13 =	simm.s32 $0x3200;
	s14 =	simm.s32 $0xD;
	s6 =	sshrl.u32 s16, $0x3  }
.LBB2_2:
0x78: {  	s15 =	sadd.s32 s4, s6  }
0x79: {  	[tilespmem:s19], [sflag:$0x2] =	stream.linear.gather [hbm4b:s15+s2], $0x320, $0x38;
	[tilespmem:$0x19C80] =	vst v63  }
0x7a: {  	_ =	swait.ge [sflag:s1], $0x6400  }
0x7b: {  	[sflag:s1] =	ssyncset.done $0x0  }
0x7c: {  	[sflag:s1] =	ssyncadd.s32 $0xFFFF9C00  }
0x7d: {  	_ =	swait.ge [sflag:s22], $0x320  }
0x7e: {  	[sflag:s22] =	ssyncset.done $0x0  }
0x7f: {  	[sflag:s22] =	ssyncadd.s32 $0xFFFFFCE0  }
0x80: {  	[tilespmem:s23], [sflag:$0x5] =	stream.indirect.gather [hbm4b:s5+s19], $0x20, s2, s19, $0xb8;
	[tilespmem:$0x19C80] =	vst v63  }
0x81: {  	_ =	swait.ge [sflag:s7], $0x6400  }
0x82: {  	s6 =	smov.u32 s13;
	s16 =	rddreg [dreg:$0x5];
	[sflag:s7] =	ssyncset.done $0x0  }
0x83: {  	[sflag:s7] =	ssyncadd.s32 $0xFFFF9C00;
	s15 =	sadd.s32 s6, s16  }
0x84: {  	[hbm4b:s15+s2] =	stream.linear.scatter [tilespmem:s28], [sflag:$0xB], $0x6400, $0x38;
	[tilespmem:$0x19C80] =	vst v63  }
0x85: {  	s18 =	sadd.s32 $0x190, s18  }
0x86: {  	[tilespmem:s20], [sflag:$0x3] =	stream.linear.gather [hbm4b:s18+s2], $0x320, $0x38;
	[tilespmem:$0x19C80] =	vst v63  }
0x87: {  	_ =	swait.ge [sflag:s8], $0x6400  }
0x88: {  	[sflag:s8] =	ssyncset.done $0x0  }
0x89: {  	[sflag:s8] =	ssyncadd.s32 $0xFFFF9C00  }
0x8a: {  	_ =	swait.ge [sflag:s24], $0x320  }
0x8b: {  	[sflag:s24] =	ssyncset.done $0x0  }
0x8c: {  	[sflag:s24] =	ssyncadd.s32 $0xFFFFFCE0  }
0x8d: {  	[tilespmem:s25], [sflag:$0x6] =	stream.indirect.gather [hbm4b:s5+s19], $0x20, s19, s19, $0xb8;
	[tilespmem:$0x19C80] =	vst v63  }
0x8e: {  	_ =	swait.ge [sflag:s9], $0x6400  }
0x8f: {  	s16 =	rddreg [dreg:$0x4];
	[sflag:s9] =	ssyncset.done $0x0  }
0x90: {  	[sflag:s9] =	ssyncadd.s32 $0xFFFF9C00;
	s15 =	sadd.s32 s6, s16  }
0x91: {  	[hbm4b:s15+s2] =	stream.linear.scatter [tilespmem:s30], [sflag:$0xC], $0x6400, $0x38;
	[tilespmem:$0x19C80] =	vst v63  }
0x92: {  	s17 =	sadd.s32 $0x190, s17  }
0x93: {  	[tilespmem:s21], [sflag:$0x4] =	stream.linear.gather [hbm4b:s17+s2], $0x320, $0x38;
	[tilespmem:$0x19C80] =	vst v63  }
0x94: {  	_ =	swait.ge [sflag:s10], $0x6400  }
0x95: {  	[sflag:s10] =	ssyncset.done $0x0  }
0x96: {  	[sflag:s10] =	ssyncadd.s32 $0xFFFF9C00  }
0x97: {  	s15 =	sadd.s32 $0xFFFFFFFF, s14;
	_ =	swait.ge [sflag:s26], $0x320  }
0x98: {  	s15 =	sand.u32 $0x1C, s15;
	[sflag:s26] =	ssyncset.done $0x0  }
0x99: {  	s15 =	smul.u32 $0x320, s15;
	[sflag:s26] =	ssyncadd.s32 $0xFFFFFCE0  }
0x9a: {  	[tilespmem:s28], [sflag:$0x7] =	stream.indirect.gather [hbm4b:s5+s19], $0x20, s20, s19, $0xb8;
	[tilespmem:$0x19C80] =	vst v63  }
0x9b: {  	_ =	swait.ge [sflag:s31], $0x6400  }
0x9c: {  	s15 =	sadd.s32 s3, s15;
	s16 =	rddreg [dreg:$0x6];
	[sflag:s31] =	ssyncset.done $0x0  }
0x9d: {  	s15 =	sshrl.u32 s15, $0x3;
	[sflag:s31] =	ssyncadd.s32 $0xFFFF9C00;
	s16 =	sadd.s32 s6, s16  }
0x9e: {  	[hbm4b:s16+s2] =	stream.linear.scatter [tilespmem:s23], [sflag:$0x9], $0x6400, $0x38;
	[tilespmem:$0x19C80] =	vst v63  }
0x9f: {  	s15 =	sadd.s32 s4, s15  }
0xa0: {  	[tilespmem:s2], [sflag:$0x1] =	stream.linear.gather [hbm4b:s15+s2], $0x320, $0x38;
	[tilespmem:$0x19C80] =	vst v63  }
0xa1: {  	_ =	swait.ge [sflag:s11], $0x6400  }
0xa2: {  	[sflag:s11] =	ssyncset.done $0x0  }
0xa3: {  	[sflag:s11] =	ssyncadd.s32 $0xFFFF9C00  }
0xa4: {  	_ =	swait.ge [sflag:s29], $0x320  }
0xa5: {  	s15 =	sand.u32 $0x1D, s14;
	[sflag:s29] =	ssyncset.done $0x0  }
0xa6: {  	p0 =	sne.s32 s13, $0x12C00;
	s15 =	smul.u32 $0x320, s15;
	[sflag:s29] =	ssyncadd.s32 $0xFFFFFCE0  }
0xa7: {  	[tilespmem:s30], [sflag:$0x8] =	stream.indirect.gather [hbm4b:s5+s19], $0x20, s21, s19, $0xb8;
	[tilespmem:$0x19C80] =	vst v63  }
.Ltmp0:
0xa8: {  	_ = 	snop;
	(pc) =	sbr.rel @p0 .LBB2_2-.Ltmp0, $4  }
0xa9: {  	s13 =	sadd.s32 $0x3200, s13;
	s14 =	sadd.s32 $0x4, s14;
	_ =	swait.ge [sflag:s0], $0x6400  }
0xaa: {  	s15 =	sadd.s32 s3, s15;
	s16 =	rddreg [dreg:$0x3];
	[sflag:s0] =	ssyncset.done $0x0  }
0xab: {  	[sflag:s0] =	ssyncadd.s32 $0xFFFF9C00;
	s16 =	sadd.s32 s6, s16;
	s6 =	sshrl.u32 s15, $0x3  }
0xac: {  	[hbm4b:s16+s2] =	stream.linear.scatter [tilespmem:s25], [sflag:$0xA], $0x6400, $0x38;
	[tilespmem:$0x19C80] =	vst v63  }
0xad: {  	s6 =	sadd.s32 s4, s6  }
0xae: {  	[tilespmem:s19], [sflag:$0x2] =	stream.linear.gather [hbm4b:s6+s2], $0x320, $0x38;
	[tilespmem:$0x19C80] =	vst v63  }
0xaf: {  	_ =	swait.ge [sflag:s7], $0x6400  }
0xb0: {  	[sflag:s7] =	ssyncset.done $0x0  }
0xb1: {  	s16 =	rddreg [dreg:$0xf];
	[sflag:s7] =	ssyncadd.s32 $0xFFFF9C00  }
0xb2: {  	[hbm4b:s16+s2] =	stream.linear.scatter [tilespmem:s28], [sflag:$0xB], $0x6400, $0x38;
	[tilespmem:$0x19C80] =	vst v63  }
0xb3: {  	_ =	swait.ge [sflag:s9], $0x6400  }
0xb4: {  	[sflag:s9] =	ssyncset.done $0x0  }
0xb5: {  	s17 =	rddreg [dreg:$0x10];
	[sflag:s9] =	ssyncadd.s32 $0xFFFF9C00  }
0xb6: {  	[hbm4b:s17+s2] =	stream.linear.scatter [tilespmem:s30], [sflag:$0xC], $0x6400, $0x38;
	[tilespmem:$0x19C80] =	vst v63  }
0xb7: {  	_ =	swait.ge [sflag:s1], $0x6400  }
0xb8: {  	[sflag:s1] =	ssyncset.done $0x0  }
0xb9: {  	[sflag:s1] =	ssyncadd.s32 $0xFFFF9C00  }
0xba: {  	_ =	swait.ge [sflag:s8], $0x6400  }
0xbb: {  	[sflag:s8] =	ssyncset.done $0x0  }
0xbc: {  	[sflag:s8] =	ssyncadd.s32 $0xFFFF9C00  }
0xbd: {  	_ =	swait.ge [sflag:s10], $0x6400  }
0xbe: {  	[sflag:s10] =	ssyncset.done $0x0  }
0xbf: {  	[sflag:s10] =	ssyncadd.s32 $0xFFFF9C00  }
0xc0: {  	_ =	swait.ge [sflag:s11], $0x6400  }
0xc1: {  	[sflag:s11] =	ssyncset.done $0x0  }
0xc2: {  	[sflag:s11] =	ssyncadd.s32 $0xFFFF9C00  }
0xc3: {  	_ =	swait.ge [sflag:s22], $0x320  }
0xc4: {  	[sflag:s22] =	ssyncset.done $0x0  }
0xc5: {  	[sflag:s22] =	ssyncadd.s32 $0xFFFFFCE0  }
0xc6: {  	_ =	swait.ge [sflag:s24], $0x320  }
0xc7: {  	s12 =	sadd.s32 $0x1, s12;
	s18 =	rddreg [dreg:$0x11]  }
0xc8: {  	p0 =	sne.s32 s12, s18  }
.Ltmp1:
0xc9: {  	_ = 	snop;
	(pc) =	sbr.rel @p0 .LBB2_1-.Ltmp1, $3  }
0xca: {  	_ =	sdelay $0x1  }
0xcb: {  	[sflag:s24] =	ssyncset.done $0x0  }
0xcc: {  	[sflag:s24] =	ssyncadd.s32 $0xFFFFFCE0  }
0xcd: {  	_ =	sfence.sel $0x180000  }
0xce: {  	[bflag:$0x0] =	sbarrier.arrive $0xFFFF  }
0xcf: {  	_ =	strace $0x90000047  }
0xd0: {  	s0 =	stileid.u32;
	[bflag:$0x2] =	sbarrier.arrive $0xFFFF  }
0xd1: {  	p0 =	sne.s32 s0, $0x0;
	s0 =	rddreg [dreg:$0x2]  }
0xd2: {  	s0 =	sadd.s32 @!p0 $0x100000, s0  }
0xd3: {  	[sflag:s0] =	ssyncadd.tile.s32 @!p0 $0x1;
	_ =	shalt  }
.Lfunc_end2:
_tile_overlayer_lowered:
.L_overlay_start_2:
0xd4: {  	(tag) =	ssettag $0x2  }
0xd5: {  	s0 =	rddreg [dreg:$0x0];
	s2 =	stileid.u32  }
0xd6: {  	s1 =	rddreg [dreg:$0x1];
	p0 =	sne.s32 s2, $0x0  }
0xd7: {  	s3 =	rddreg [dreg:$0x2];
	[bflag:$0x3] =	sbarrier.arrive $0xFFFF;
	s2 =	simm.s32 @!p0 $0x1C0D  }
0xd8: {  	[timem:s3], [sflag:s2] =	dma.local @!p0 [hbm:s0], s1  }
0xd9: {  	s0 =	simm.s32 @!p0 $0xD  }
0xda: {  	_ =	swait.ge @!p0 [sflag:s0], s1  }
0xdb: {  	s1 =	ssub.s32 @!p0 $0x0, s1;
	[sflag:s0] =	ssyncset.done @!p0 $0x0  }
0xdc: {  	[sflag:s0] =	ssyncadd.s32 @!p0 s1  }
0xdd: {  	[bflag:$0x3] =	sbarrier.arrive $0xFFFF  }
0xde: {  	_ =	shalt  }

// kernel: sparse-core-data-format-call.cloned.1.call-start
scs
called_computation_lowered:
.L_overlay_start_0:
0x0: {  	s2 =	sld [smem:$0x3FD9]  }
0x1: {  	s3 =	sld [smem:$0x3FFE];
	_ =	sdelay $0x1  }
0x2: {  	s1 =	srdreg.scid  }
0x3: {  	s0 =	sand.u32 $0x1, s1  }
0x4: {  	s18 =	sshll.u32 s0, $0xA;
	s2 =	sadd.s32 s3, s2  }
0x5: {  	s2 =	sadd.s32 s2, s18  }
0x6: {  	[smem:$0x3FC6] =	sst s2  }
0x7: {  	_ = 	snop  }
0x8: {  	s2 =	sld [smem:$0x3FD0];
	(tm) =	ssettm $0x1  }
0x9: {  	s19 =	sld [smem:$0x3FFB];
	_ =	sdelay $0x3  }
0xa: {  	_ =	strace s19  }
0xb: {  	s3 =	sld [smem:$0x3FFC];
	_ =	sdelay $0x3  }
0xc: {  	_ =	strace s3  }
0xd: {  	s3 =	sld [smem:$0x3FFD];
	_ =	sdelay $0x3  }
0xe: {  	_ =	strace s3  }
0xf: {  	_ =	strace $0x8FFFFFFF  }
0x10: {  	s20 =	sld [smem:$0x3FDB];
	_ =	sdelay $0x1  }
0x11: {  	s4 =	simm.s32 $_scs_section_size  }
0x12: {  	s5 =	simm.s32 $_size__tile_overlayer_lowered;
	s6 =	simm.s32 $_tile_overlayer_lowered  }
0x13: {  	s23 =	simm.s32 $0x1BFF;
	s22 =	sshll.u32 s6, $0x1;
	s3 =	sadd.s32 s4, s20  }
0x14: {  	s7 =	simm.s32 $0x0;
	s21 =	sshll.u32 s5, $0x1;
	s5 =	sadd.s32 s22, s3  }
0x15: {  	[timem:s7], [sflag:s23] =	dma.local [hbm:s5], s21  }
0x16: {  	_ =	swait.ge [sflag:s23], s21  }
0x17: {  	s4 =	ssub.s32 $0x0, s21;
	[sflag:s23] =	ssyncset.done $0x0  }
0x18: {  	[sflag:s23] =	ssyncadd.s32 s4;
	_ =	sdelay $0x1  }
0x19: {  	s24 =	simm.s32 $0x1B8B  }
0x1a: {  	_ =	swait.ge [sflag:s24], $0x1  }
0x1b: {  	[sflag:s24] =	ssyncset.done $0x0  }
0x1c: {  	s26 =	simm.s32 $0x1B8E;
	s25 =	sld [smem:$0x3FFE];
	[sflag:s24] =	ssyncadd.s32 $0xFFFFFFFF  }
0x1d: {  	s27 =	simm.s32 $execute0_lowered;
	[smem:$0x3FD2] =	sst s26  }
0x1e: {  	s5 =	sshll.u32 s27, $0x1;
	_ =	strace $0x80000049;
	[dreg:$0x1] =	wrdreg $0xFFFFFFFF  }
0x1f: {  	s28 =	simm.s32 $_size_execute0_lowered;
	s3 =	sadd.s32 s3, s5;
	[dreg:$0x0] =	wrdreg $0x0  }
0x20: {  	s5 =	sshll.u32 s28, $0x1;
	[dreg:$0x2] =	wrdreg s3  }
0x21: {  	[dreg:$0x3] =	wrdreg s5  }
0x22: {  	[dreg:$0x4] =	wrdreg $0xC0  }
0x23: {  	_ =	task [dreg:s7], $0x5FFFF  }
0x24: {  	[dreg:$0x1] =	wrdreg $0xFFFFFFFF  }
0x25: {  	[dreg:$0x0] =	wrdreg $0x60  }
0x26: {  	[dreg:$0x2] =	wrdreg s25  }
0x27: {  	[dreg:$0x3] =	wrdreg s2  }
0x28: {  	[dreg:$0x4] =	wrdreg $0x9  }
0x29: {  	_ =	task.clear_ibuf [dreg:s7], $0x5FFFF;
	_ =	strace $0x90000049  }
0x2a: {  	s29 =	simm.s32 $0x9;
	_ =	strace $0x8000004B  }
0x2b: {  	_ =	swait.ge [sflag:s29], $0x1  }
0x2c: {  	[sflag:s29] =	ssyncadd.s32 $0xFFFFFFFF  }
0x2d: {  	_ =	strace $0x9000004B  }
0x2e: {  	_ =	sfence  }
0x2f: {  	s30 =	sld [smem:$0x0];
	_ =	sdelay $0x2  }
0x30: {  	s31 =	sshll.u32 s1, $0xD;
	s1 =	sshrl.u32 s1, $0x2  }
0x31: {  	s3 =	sand.u32 $0x4000, s31;
	s1 =	sadd.s32 s1, s30  }
0x32: {  	s0 =	sor.u32 s3, s0;
	s1 =	sshll.u32 s1, $0x11  }
0x33: {  	s0 =	sor.u32 s1, s0  }
0x34: {  	s0 =	sadd.s32 $0x8F2B, s0  }
0x35: {  	[sflag:s0] =	ssyncadd.remote.s32 $0x1  }
0x36: {  	_ =	sfence.sel $0xFFFF  }
0x37: {  	[dreg:$0x0] =	wrdreg $0xFFFFFFFF;
	(pc) =	sbr.abs _section_cstart, $3  }
0x38: {  	[dreg:$0x1] =	wrdreg $0xFFFFFFFF  }
0x39: {  	_ =	task.clear_ibuf [dreg:s7], $0x2FFFF;
	_ =	strace $0x9FFFFFFF  }
0x3a: {  	(tm) =	ssettm $0x7FFFFFFF  }
0x3b: {  	_ =	shalt  }
tec
execute0_lowered:
.L_overlay_start_1:
0x0: {  	(tag) =	ssettag $0x1  }
0x1: {  	s0 =	srdreg.scid  }
0x2: {  	s1 =	sshll.u32 s0, $0x4  }
0x3: {  	s0 =	stileid.u32;
	s1 =	sand.u32 $0x10, s1  }
0x4: {  	s1 =	sor.u32 s0, s1  }
0x5: {  	s6 =	rddreg [dreg:$0x0];
	s4 =	simm.s32 $0x1;
	s2 =	sshll.u32 s1, $0x7  }
0x6: {  	s7 =	simm.s32 $0x2;
	s12 =	simm.s32 $0x0;
	s1 =	ssub.s32 $0x1000, s2  }
0x7: {  	s8 =	simm.s32 $0x8000;
	s13 =	simm.s32 $0x0;
	s3 =	sand.u32 $0xF80, s1  }
0x8: {  	s9 =	simm.s32 $0x0;
	s5 =	sshrl.u32 s1, $0xC;
	p0 =	sne.s32 s3, $0x0  }
.Ltmp0:
0x9: {  	s1 =	rddreg [dreg:$0x2];
	s4 =	simm.s32 @!p0 $0x0;
	(pc) =	sbr.rel .LBB1_1-.Ltmp0, $4  }
0xa: {  	s11 =	simm.s32 $0x0;
	s3 =	rddreg [dreg:$0x1];
	s5 =	sadd.s32 s4, s5  }
0xb: {  	_ =	strace $0x8000004A;
	s4 =	simm.s32 $0x1;
	s5 =	smul.u32 $0xC8, s5  }
0xc: {  	s6 =	sadd.s32 $0xA00, s6;
	s10 =	smov.u32 s2;
	[sflag:s4] =	ssyncpa.u1 $0x0  }
0xd: {  	p0 =	por $0x0, $0x0;
	[sflag:s7] =	ssyncpa.u1 $0x0;
	s7 =	sor.u32 $0x1, s5  }
.LBB1_4:
0xe: {  	s16 =	sshll.u32 s13, $0x3;
	s17 =	sand.u32 $0x78, s13  }
0xf: {  	s30 =	sand.u32 $0x3E00, s13;
	s12 =	sshll.u32 s12, $0xE;
	s16 =	sand.u32 $0xC00, s16  }
0x10: {  	s31 =	sand.u32 $0x7, s13;
	s16 =	sor.u32 s17, s16;
	s17 =	sadd.s32 s3, s30  }
0x11: {  	s13 =	sshll.u32 s31, $0x12;
	s16 =	sshrl.u32 s16, $0x3;
	s12 =	sadd.s32 s12, s17  }
0x12: {  	[tilespmem:s15+$0x0 ss:$0x81] =	vst.msk $0xffff, v0;
	s13 =	sor.u32 $0x400, s13;
	s12 =	sadd.s32 s16, s12  }
0x13: {  	[hbm4b:s12+s13] =	stream.strided.scatter [tilespmem:s14], [sflag:$0x2], $0x1000, s8, s13, $0x20;
	[tilespmem:$0x4040] =	vst v63  }
.LBB1_5:
0x14: {  	s14 =	sadd.s32 $0x1, s9  }
0x15: {  	s12 =	sadd.s32 $0x1000, s10;
	s16 =	smov.u32 s10;
	p2 =	sgt.s32 s14, $0xC7  }
0x16: {  	s16 =	smov.u32 @p2 s12  }
0x17: {  	s14 =	simm.s32 @p2 $0x0;
	p2 =	sgt.s32 s16, $0xFFF  }
0x18: {  	s16 =	smov.u32 @p2 s2;
	p2 =	sne.s32 s11, s7  }
.Ltmp1:
0x19: {  	p1 =	slt.u32 s11, $0x2;
	(pc) =	sbr.rel @!p2 .LBB1_6-.Ltmp1, $4  }
0x1a: {  	s15 =	simm.s32 @!p1 $0x2  }
0x1b: {  	s13 =	smov.u32 s10;
	p0 =	por !p0, !p0;
	_ =	swait.ge @!p1 [sflag:s15], $0x1000  }
0x1c: {  	s12 =	smov.u32 s9;
	[sflag:s15] =	ssyncset.done @!p1 $0x0;
	s9 =	smov.u32 s14  }
0x1d: {  	s11 =	sadd.s32 $0x1, s11;
	[sflag:s15] =	ssyncadd.s32 @!p1 $0xFFFFF000;
	s10 =	smov.u32 s16  }
.LBB1_1:
0x1e: {  	p1 =	sge.u32 s11, s5  }
0x1f: {  	s14 =	sand.u32 @!p1 $0x1FFFFFF, s9  }
0x20: {  	s15 =	smulhi.u32 @!p1 $0x147AE15, s14;
	_ =	sdelay $0x1  }
0x21: {  	s15 =	smul.u32 @!p1 $0xC8, s15  }
0x22: {  	s16 =	sxor.u32 @!p1 $0xFFFFFFFF, s11;
	s17 =	smul.u32 @!p1 $0xC80, s10  }
0x23: {  	s31 =	sadd.s32 $0xFFFFFFFF, s11;
	s16 =	sshll.u32 @!p1 s16, $0xC;
	s14 =	ssub.s32 @!p1 s14, s15  }
0x24: {  	s15 =	sand.u32 @!p1 $0x1000, s16;
	s16 =	sadd.s32 @!p1 s6, s17;
	s14 =	sshll.u32 @!p1 s14, $0x4  }
0x25: {  	s17 =	simm.s32 @!p1 $0x6400;
	s14 =	sadd.s32 @!p1 s14, s16;
	s16 =	simm.s32 @!p1 $0x20  }
0x26: {  	[tilespmem:s15], [sflag:$0x1] =	stream.strided.gather @!p1 [hbm4b:s14+s16], $0x1000, s17, s16, $0x38;
	[tilespmem:$0x4040] =	vst v63  }
0x27: {  	p1 =	sge.u32 s31, s5  }
.Ltmp2:
0x28: {  	_ = 	snop;
	(pc) =	sbr.rel @p1 .LBB1_5-.Ltmp2, $1  }
0x29: {  	_ =	sdelay $0x3  }
0x2a: {  	s14 =	simm.s32 $0x1  }
0x2b: {  	_ =	swait.ge [sflag:s4], $0x1000;
	s14 =	simm.s32 @!p0 $0x0  }
0x2c: {  	[sflag:s4] =	ssyncset.done $0x0;
	s15 =	sshll.u32 s14, $0xC  }
0x2d: {  	[sflag:s4] =	ssyncadd.s32 $0xFFFFF000;
	s18 =	sor.u32 $0x10, s15  }
0x2e: {  	s14 =	smul.u32 $0x4080, s14;
	v1 =	vld [tilespmem:s18+$0x0]  }
0x2f: {  	s30 =	sand.u32 $0x1, s11;
	v0 =	vld [tilespmem:s18+$0xFFFFFFF0]  }
0x30: {  	s15 =	smul.u32 $0x4080, s30;
	s14 =	sshrl.u32 s14, $0x2  }
0x31: {  	s16 =	sor.u32 $0x2000, s14  }
0x32: {  	s31 =	sshrl.u32 s15, $0x2;
	s15 =	sadd.s32 $0x0, s16  }
0x33: {  	s17 =	simm.s32 $0x4;
	s18 =	sadd.s32 $0x20, s18;
	s14 =	sor.u32 $0x2000, s31;
	[tilespmem:s15+$0x810 ss:$0x81] =	vst.msk $0xffff, v1  }
.LBB1_3:
0x34: {  	v1 =	vld [tilespmem:s18+$0x0];
	p1 =	sne.s32 s17, $0x1FC;
	[tilespmem:s15+$0x0 ss:$0x81] =	vst.msk $0xffff, v0;
	s15 =	smov.u32 s17;
	s17 =	sadd.s32 $0x4, s17  }
.Ltmp3:
0x35: {  	v0 =	vld [tilespmem:s18+$0xFFFFFFF0];
	(pc) =	sbr.rel @p1 .LBB1_3-.Ltmp3, $4  }
0x36: {  	_ = 	snop  }
0x37: {  	s15 =	sshra.s32 s15, $0x2  }
0x38: {  	s15 =	sadd.s32 s15, s16  }
0x39: {  	s18 =	sadd.s32 $0x20, s18;
	[tilespmem:s15+$0x810 ss:$0x81] =	vst.msk $0xffff, v1  }
.Ltmp4:
0x3a: {  	_ = 	snop;
	(pc) =	sbr.rel .LBB1_4-.Ltmp4, $1  }
0x3b: {  	_ =	sdelay $0x3  }
.LBB1_6:
0x3c: {  	_ =	sfence.sel $0x180000  }
0x3d: {  	s2 =	simm.s32 $0x1;
	[bflag:$0x0] =	sbarrier.arrive $0xFFFF  }
0x3e: {  	s31 =	simm.s32 $0x2;
	[sflag:s2] =	ssyncpa.u1 $0x1  }
0x3f: {  	[sflag:s31] =	ssyncpa.u1 $0x1  }
0x40: {  	p0 =	sne.s32 s0, $0x0;
	_ =	strace $0x9000004A  }
0x41: {  	s0 =	sadd.s32 @!p0 $0x100000, s1;
	[bflag:$0x2] =	sbarrier.arrive $0xFFFF  }
0x42: {  	[sflag:s0] =	ssyncadd.tile.s32 @!p0 $0x1;
	_ =	shalt  }
.Lfunc_end1:
_tile_overlayer_lowered:
.L_overlay_start_2:
0x43: {  	(tag) =	ssettag $0x2  }
0x44: {  	s0 =	rddreg [dreg:$0x0];
	s2 =	stileid.u32  }
0x45: {  	s1 =	rddreg [dreg:$0x1];
	p0 =	sne.s32 s2, $0x0  }
0x46: {  	s3 =	rddreg [dreg:$0x2];
	[bflag:$0x3] =	sbarrier.arrive $0xFFFF;
	s2 =	simm.s32 @!p0 $0x1C01  }
0x47: {  	[timem:s3], [sflag:s2] =	dma.local @!p0 [hbm:s0], s1  }
0x48: {  	s0 =	simm.s32 @!p0 $0x1  }
0x49: {  	_ =	swait.ge @!p0 [sflag:s0], s1  }
0x4a: {  	s1 =	ssub.s32 @!p0 $0x0, s1;
	[sflag:s0] =	ssyncset.done @!p0 $0x0  }
0x4b: {  	[sflag:s0] =	ssyncadd.s32 @!p0 s1  }
0x4c: {  	[bflag:$0x3] =	sbarrier.arrive $0xFFFF  }
0x4d: {  	_ =	shalt  }

</sc_bundles>
